<compile_context>
chip_gen: v7x
topology: tpu7x:2x2x1
jax: 0.10.2.dev20260603
libtpu: 0.0.44.dev20260713+nightly
codegen_flags: <defaults>
</compile_context>

<pallas_src>
import functools

import jax
import jax.numpy as jnp
from jax import lax
from jax.experimental import pallas as pl
from jax.experimental.pallas import tpu as pltpu
from jax.experimental.pallas import tpu_sc as plsc

N = 10000
E = 160000
H = 256
NCLS = 40
G = 128

NPAD = 10240
JROW = 10008
STRIPE = NPAD // 16
ECHUNK = 128
NCHUNK = 80
DCHUNK = 40
EPAD = 16 * NCHUNK * ECHUNK
RB = 1000
GRID = N // RB
RB2 = 640
GRID2 = NPAD // RB2


def _deg_body(dst_h, z_h, out_h, idx_v, ones_v, acc):
    c = lax.axis_index("c")
    s = lax.axis_index("s")
    wid = c * 16 + s
    pltpu.sync_copy(z_h.at[pl.ds(s * STRIPE, STRIPE)],
                    acc.at[pl.ds(s * STRIPE, STRIPE)])
    pltpu.sync_copy(dst_h.at[wid], idx_v)

    def fill(i, carry):
        ones_v[i, :] = jnp.ones((16,), jnp.float32)
        return carry
    lax.fori_loop(0, ECHUNK, fill, 0)
    plsc.subcore_barrier()

    def step(j, carry):
        pltpu.sync_copy(ones_v, acc.at[idx_v.at[j]], add=True)
        return carry
    lax.fori_loop(0, DCHUNK, step, 0)
    plsc.subcore_barrier()
    pltpu.sync_copy(acc.at[pl.ds(s * STRIPE, STRIPE)],
                    out_h.at[c, pl.ds(s * STRIPE, STRIPE)])


@functools.cache
def _get_deg():
    return pl.kernel(
        _deg_body,
        out_type=jax.ShapeDtypeStruct((2, NPAD, 16), jnp.float32),
        mesh=plsc.VectorSubcoreMesh(core_axis_name="c", subcore_axis_name="s"),
        scratch_types=[
            pltpu.VMEM((DCHUNK, ECHUNK), jnp.int32),
            pltpu.VMEM((ECHUNK, 16), jnp.float32),
            pltpu.VMEM_SHARED((NPAD, 16), jnp.float32),
        ],
    )


def _scat_body(hs0, hs1, src_h, dst_h, z_h, out_h, sidx, didx, buf, acc):
    c = lax.axis_index("c")
    s = lax.axis_index("s")
    pltpu.sync_copy(z_h.at[pl.ds(s * STRIPE, STRIPE)],
                    acc.at[pl.ds(s * STRIPE, STRIPE)])
    pltpu.sync_copy(src_h.at[s], sidx)
    pltpu.sync_copy(dst_h.at[s], didx)
    plsc.subcore_barrier()

    def run(table):
        def step(j, carry):
            pltpu.sync_copy(table.at[sidx.at[j]], buf)
            pltpu.sync_copy(buf, acc.at[didx.at[j]], add=True)
            return carry
        lax.fori_loop(0, NCHUNK, step, 0)

    @pl.when(c == 0)
    def _():
        run(hs0)

    @pl.when(c == 1)
    def _():
        run(hs1)

    plsc.subcore_barrier()
    pltpu.sync_copy(acc.at[pl.ds(s * STRIPE, STRIPE)],
                    out_h.at[c, pl.ds(s * STRIPE, STRIPE)])


@functools.cache
def _get_scatter():
    return pl.kernel(
        _scat_body,
        out_type=jax.ShapeDtypeStruct((2, NPAD, 128), jnp.float32),
        mesh=plsc.VectorSubcoreMesh(core_axis_name="c", subcore_axis_name="s"),
        scratch_types=[
            pltpu.VMEM((NCHUNK, ECHUNK), jnp.int32),
            pltpu.VMEM((NCHUNK, ECHUNK), jnp.int32),
            pltpu.VMEM((ECHUNK, 128), jnp.float32),
            pltpu.VMEM_SHARED((NPAD, 128), jnp.float32),
        ],
    )



def _dinv_body(dp_ref, o_ref):
    d = dp_ref[0] + dp_ref[1]
    d1 = d[:, 0:1] + 1.0
    o_ref[...] = jnp.broadcast_to(lax.rsqrt(d1), (RB2, 128))


_dinv = pl.pallas_call(
    _dinv_body,
    grid=(GRID2,),
    in_specs=[pl.BlockSpec((2, RB2, 16), lambda i: (0, i, 0))],
    out_specs=pl.BlockSpec((RB2, 128), lambda i: (i, 0)),
    out_shape=jax.ShapeDtypeStruct((NPAD, 128), jnp.float32),
)


def _l1_body(x_ref, w_ref, dv_ref, h0_ref, h1_ref):
    h = jnp.dot(x_ref[...], w_ref[...], preferred_element_type=jnp.float32)
    dv = dv_ref[...]
    h0_ref[...] = h[:, :128] * dv
    h1_ref[...] = h[:, 128:] * dv


_l1 = pl.pallas_call(
    _l1_body,
    grid=(GRID2,),
    in_specs=[
        pl.BlockSpec((RB2, H), lambda i: (i, 0)),
        pl.BlockSpec((H, H), lambda i: (0, 0)),
        pl.BlockSpec((RB2, 128), lambda i: (i, 0)),
    ],
    out_specs=[
        pl.BlockSpec((RB2, 128), lambda i: (i, 0)),
        pl.BlockSpec((RB2, 128), lambda i: (i, 0)),
    ],
    out_shape=[
        jax.ShapeDtypeStruct((NPAD, 128), jnp.float32),
        jax.ShapeDtypeStruct((NPAD, 128), jnp.float32),
    ],
)


def _ep_body(a_ref, p0_ref, p1_ref, dv_ref, b_ref, w_ref, h0_ref, h1_ref):
    dv = dv_ref[...]
    u0 = jnp.maximum(dv * (a_ref[0] + p0_ref[...]) + b_ref[0:1, :128], 0.0)
    u1 = jnp.maximum(dv * (a_ref[1] + p1_ref[...]) + b_ref[0:1, 128:], 0.0)
    h = (jnp.dot(u0, w_ref[:128, :], preferred_element_type=jnp.float32)
         + jnp.dot(u1, w_ref[128:, :], preferred_element_type=jnp.float32))
    h0_ref[...] = h[:, :128] * dv
    h1_ref[...] = h[:, 128:] * dv


_ep = pl.pallas_call(
    _ep_body,
    grid=(GRID2,),
    in_specs=[
        pl.BlockSpec((2, RB2, 128), lambda i: (0, i, 0)),
        pl.BlockSpec((RB2, 128), lambda i: (i, 0)),
        pl.BlockSpec((RB2, 128), lambda i: (i, 0)),
        pl.BlockSpec((RB2, 128), lambda i: (i, 0)),
        pl.BlockSpec((8, H), lambda i: (0, 0)),
        pl.BlockSpec((H, H), lambda i: (0, 0)),
    ],
    out_specs=[
        pl.BlockSpec((RB2, 128), lambda i: (i, 0)),
        pl.BlockSpec((RB2, 128), lambda i: (i, 0)),
    ],
    out_shape=[
        jax.ShapeDtypeStruct((NPAD, 128), jnp.float32),
        jax.ShapeDtypeStruct((NPAD, 128), jnp.float32),
    ],
)


def _fin_body(a_ref, p0_ref, p1_ref, dv_ref, b_ref, bt_ref, wl_ref, bl_ref,
              o_ref, pool):
    i = pl.program_id(0)
    dv = dv_ref[...]
    u0 = jnp.maximum(dv * (a_ref[0] + p0_ref[...]) + b_ref[0:1, :128], 0.0)
    u1 = jnp.maximum(dv * (a_ref[1] + p1_ref[...]) + b_ref[0:1, 128:], 0.0)
    bt = bt_ref[0]
    gi = lax.broadcasted_iota(jnp.int32, (G, RB), 0)
    oh = (gi == bt).astype(jnp.float32)

    @pl.when(i == 0)
    def _():
        pool[...] = jnp.zeros((G, H), jnp.float32)

    pool[:, :128] += jnp.dot(oh, u0, preferred_element_type=jnp.float32)
    pool[:, 128:] += jnp.dot(oh, u1, preferred_element_type=jnp.float32)

    @pl.when(i == GRID - 1)
    def _():
        p = jnp.maximum(pool[...], 0.0)
        logits = (jnp.dot(p, wl_ref[...], preferred_element_type=jnp.float32)
                  + bl_ref[0:1, :])
        mask = lax.broadcasted_iota(jnp.int32, (G, 128), 1) < NCLS
        lg = jnp.where(mask, logits, -1e30)
        m = jnp.max(lg, axis=1, keepdims=True)
        lse = jnp.log(jnp.sum(jnp.exp(lg - m), axis=1, keepdims=True)) + m
        o_ref[...] = lg - lse


_fin = pl.pallas_call(
    _fin_body,
    grid=(GRID,),
    in_specs=[
        pl.BlockSpec((2, RB, 128), lambda i: (0, i, 0)),
        pl.BlockSpec((RB, 128), lambda i: (i, 0)),
        pl.BlockSpec((RB, 128), lambda i: (i, 0)),
        pl.BlockSpec((RB, 128), lambda i: (i, 0)),
        pl.BlockSpec((8, H), lambda i: (0, 0)),
        pl.BlockSpec((1, 1, RB), lambda i: (i, 0, 0)),
        pl.BlockSpec((H, 128), lambda i: (0, 0)),
        pl.BlockSpec((8, 128), lambda i: (0, 0)),
    ],
    out_specs=pl.BlockSpec((G, 128), lambda i: (0, 0)),
    out_shape=jax.ShapeDtypeStruct((G, 128), jnp.float32),
    scratch_shapes=[pltpu.VMEM((G, H), jnp.float32)],
)



def kernel(x, edge_index, batch, W1, b1, W2, b2, W3, b3, Wl, bl):
    src = edge_index[0].astype(jnp.int32)
    dst = edge_index[1].astype(jnp.int32)
    pad = jnp.full((EPAD - E,), JROW, jnp.int32)
    srcp = jnp.concatenate([src, pad])
    dstp = jnp.concatenate([dst, pad])
    src_sc = srcp.reshape(16, NCHUNK, ECHUNK)
    dst_sc = dstp.reshape(16, NCHUNK, ECHUNK)
    dst_deg = dstp.reshape(32, DCHUNK, ECHUNK)
    z16 = jnp.zeros((NPAD, 16), jnp.float32)
    z128 = jnp.zeros((NPAD, 128), jnp.float32)
    b1b = jnp.broadcast_to(b1, (8, H))
    b2b = jnp.broadcast_to(b2, (8, H))
    b3b = jnp.broadcast_to(b3, (8, H))
    wlp = jnp.zeros((H, 128), jnp.float32).at[:, :NCLS].set(Wl)
    blp = jnp.broadcast_to(jnp.pad(bl, (0, 128 - NCLS)), (8, 128))
    bt3 = batch.astype(jnp.int32).reshape(GRID, 1, RB)

    _scatter = _get_scatter()
    xp = jnp.zeros((NPAD, H), jnp.float32).at[:N].set(x)
    degp = _get_deg()(dst_deg, z16)
    dinv = _dinv(degp)
    hs0, hs1 = _l1(xp, W1, dinv)
    agg = _scatter(hs0, hs1, src_sc, dst_sc, z128)
    hs0, hs1 = _ep(agg, hs0, hs1, dinv, b1b, W2)
    agg = _scatter(hs0, hs1, src_sc, dst_sc, z128)
    hs0, hs1 = _ep(agg, hs0, hs1, dinv, b2b, W3)
    agg = _scatter(hs0, hs1, src_sc, dst_sc, z128)
    out = _fin(agg, hs0, hs1, dinv, b3b, bt3, wlp, blp)
    return out[:, :NCLS]

# --- scband reference (transcript-rebuilt; emitter-appended) ---
"""Pipeline reference for scband-client-gcn-21964462752550 (READ-ONLY COPY).

The authoritative reference and input builder live on the scoring server;
editing this copy changes nothing except your own understanding.
"""

import jax, jax.numpy as jnp
import numpy as np

N_NODES = 10000
N_EDGES = 160000
D_FEAT = 256
NHID = 256
N_CLASSES = 40
N_GRAPHS = 128


def gcn_conv(x, edge_index, W, b):
    # GCNConv: add self-loops, symmetric degree normalization, then aggregate
    n = x.shape[0]
    loop = jnp.arange(n, dtype=edge_index.dtype)
    src = jnp.concatenate([edge_index[0], loop])
    dst = jnp.concatenate([edge_index[1], loop])
    deg = jnp.zeros((n,), jnp.float32).at[dst].add(1.0)
    dinv = jax.lax.rsqrt(deg)
    norm = dinv[src] * dinv[dst]
    h = x @ W
    msg = h[src] * norm[:, None]
    out = jnp.zeros((n, W.shape[1]), h.dtype).at[dst].add(msg)
    return out + b


def setup_inputs(seed: int = 0) -> dict:
    key = jax.random.key(seed)
    ks = jax.random.split(key, 12)
    x = jax.random.normal(ks[0], (N_NODES, D_FEAT), dtype=jnp.float32)
    edge_index = jax.random.randint(ks[1], (2, N_EDGES), 0, N_NODES, dtype=jnp.int32)
    batch = jnp.sort(jax.random.randint(ks[2], (N_NODES,), 0, N_GRAPHS, dtype=jnp.int32))
    s1 = 1.0 / np.sqrt(D_FEAT)
    s2 = 1.0 / np.sqrt(NHID)
    W1 = jax.random.normal(ks[3], (D_FEAT, NHID), jnp.float32) * s1
    b1 = jnp.zeros((NHID,), jnp.float32)
    W2 = jax.random.normal(ks[4], (NHID, NHID), jnp.float32) * s2
    b2 = jnp.zeros((NHID,), jnp.float32)
    W3 = jax.random.normal(ks[5], (NHID, NHID), jnp.float32) * s2
    b3 = jnp.zeros((NHID,), jnp.float32)
    Wl = jax.random.normal(ks[6], (NHID, N_CLASSES), jnp.float32) * s2
    bl = jnp.zeros((N_CLASSES,), jnp.float32)
    return {"x": x, "edge_index": edge_index, "batch": batch,
            "W1": W1, "b1": b1, "W2": W2, "b2": b2, "W3": W3, "b3": b3,
            "Wl": Wl, "bl": bl}


def reference(x, edge_index, batch, W1, b1, W2, b2, W3, b3, Wl, bl):
    h = jax.nn.relu(gcn_conv(x, edge_index, W1, b1))
    h = jax.nn.relu(gcn_conv(h, edge_index, W2, b2))
    h = jax.nn.relu(gcn_conv(h, edge_index, W3, b3))
    pooled = jax.ops.segment_sum(h, batch, num_segments=N_GRAPHS)
    pooled = jax.nn.relu(pooled)
    # dropout is identity in eval mode
    logits = pooled @ Wl + bl
    return jax.nn.log_softmax(logits, axis=-1)

if __name__ == "__main__":
    import jax
    _d = setup_inputs()
    print(jax.jit(kernel)(*tuple(_d.values())))

</pallas_src>

<mosaic_0001>
#map = affine_map<(d0, d1) -> (0, 0, 0)>
#map1 = affine_map<(d0, d1) -> (0, 0)>
module attributes {stable_mosaic.version = 14 : i64} {
  func.func @_deg_body(%arg0: i32, %arg1: i32, %arg2: memref<32x40x128xi32, #tpu.memory_space<hbm>>, %arg3: memref<10240x16xf32, #tpu.memory_space<hbm>>, %arg4: memref<2x10240x16xf32, #tpu.memory_space<hbm>>, %arg5: memref<40x128xi32, #tpu.memory_space<vmem>>, %arg6: memref<128x16xf32, #tpu.memory_space<vmem>>, %arg7: memref<10240x16xf32, #tpu.memory_space<vmem_shared>>) attributes {dimension_semantics = [#tpu.dimension_semantics<core_parallel>, #tpu.dimension_semantics<subcore_parallel>], iteration_bounds = array<i64: 2, 16>, scalar_prefetch = 0 : i64, scratch_operands = 3 : i64, tpu.core_type = #tpu.core_type<sc_vector_subcore>, window_params = [{transform_indices = #map}, {transform_indices = #map1}, {transform_indices = #map}]} {
    %mul3A = arith.constant 16 : i32
    %mul3A_0 = arith.muli %arg0, %mul3A : i32
    %add3A = arith.addi %mul3A_0, %arg1 : i32
    %mul3A_1 = arith.constant 640 : i32
    %mul3A_2 = arith.muli %arg1, %mul3A_1 : i32
    %mul3A_3 = arith.constant 640 : i32
    %mul3A_4 = arith.muli %arg1, %mul3A_3 : i32
    "tpu.region"() ({
      %run_scoped3A = tpu.sem_alloc : memref<!tpu.dma_semaphore, #tpu.memory_space<semaphore_mem>>
      %dma_start3A = arith.constant 0 : i32
      %dma_start3A_21 = tpu.memref_slice %arg7[%mul3A_4, %dma_start3A] : memref<10240x16xf32, #tpu.memory_space<vmem_shared>> -> memref<640x16xf32, #tpu.memory_space<vmem_shared>>
      %dma_start3A_22 = arith.constant 0 : i32
      %dma_start3A_23 = tpu.memref_slice %arg3[%mul3A_2, %dma_start3A_22] : memref<10240x16xf32, #tpu.memory_space<hbm>> -> memref<640x16xf32, #tpu.memory_space<hbm>>
      tpu.enqueue_dma source(%dma_start3A_23 : memref<640x16xf32, #tpu.memory_space<hbm>>) target(%dma_start3A_21 : memref<640x16xf32, #tpu.memory_space<vmem_shared>>) target_semaphore(%run_scoped3A : memref<!tpu.dma_semaphore, #tpu.memory_space<semaphore_mem>>)
      %dma_wait3A = arith.constant 0 : i32
      %dma_wait3A_24 = tpu.memref_slice %arg7[%mul3A_4, %dma_wait3A] : memref<10240x16xf32, #tpu.memory_space<vmem_shared>> -> memref<640x16xf32, #tpu.memory_space<vmem_shared>>
      %dma_wait3A_25 = arith.constant 0 : i32
      %dma_wait3A_26 = tpu.memref_slice %arg3[%mul3A_2, %dma_wait3A_25] : memref<10240x16xf32, #tpu.memory_space<hbm>> -> memref<640x16xf32, #tpu.memory_space<hbm>>
      tpu.wait_dma2 semaphore(%run_scoped3A : memref<!tpu.dma_semaphore, #tpu.memory_space<semaphore_mem>>) src(%dma_wait3A_26 : memref<640x16xf32, #tpu.memory_space<hbm>>) dst(%dma_wait3A_24 : memref<640x16xf32, #tpu.memory_space<vmem_shared>>)
      tpu.yield
    }) : () -> ()
    "tpu.region"() ({
      %run_scoped3A = tpu.sem_alloc : memref<!tpu.dma_semaphore, #tpu.memory_space<semaphore_mem>>
      %dma_start3A = arith.constant 0 : i32
      %dma_start3A_21 = arith.constant 0 : i32
      %dma_start3A_22 = tpu.memref_slice %arg2[%add3A, %dma_start3A, %dma_start3A_21] : memref<32x40x128xi32, #tpu.memory_space<hbm>> -> memref<1x40x128xi32, #tpu.memory_space<hbm>>
      %dma_start3A_23 = tpu.memref_squeeze %dma_start3A_22 : memref<1x40x128xi32, #tpu.memory_space<hbm>> -> memref<40x128xi32, #tpu.memory_space<hbm>>
      %dma_start3A_24 = arith.constant 0 : i32
      %dma_start3A_25 = arith.constant 0 : i32
      %dma_start3A_26 = tpu.memref_slice %arg2[%add3A, %dma_start3A_24, %dma_start3A_25] : memref<32x40x128xi32, #tpu.memory_space<hbm>> -> memref<1x40x128xi32, #tpu.memory_space<hbm>>
      %dma_start3A_27 = tpu.memref_squeeze %dma_start3A_26 : memref<1x40x128xi32, #tpu.memory_space<hbm>> -> memref<40x128xi32, #tpu.memory_space<hbm>>
      tpu.enqueue_dma source(%dma_start3A_27 : memref<40x128xi32, #tpu.memory_space<hbm>>) target(%arg5 : memref<40x128xi32, #tpu.memory_space<vmem>>) target_semaphore(%run_scoped3A : memref<!tpu.dma_semaphore, #tpu.memory_space<semaphore_mem>>)
      %dma_wait3A = arith.constant 0 : i32
      %dma_wait3A_28 = arith.constant 0 : i32
      %dma_wait3A_29 = tpu.memref_slice %arg2[%add3A, %dma_wait3A, %dma_wait3A_28] : memref<32x40x128xi32, #tpu.memory_space<hbm>> -> memref<1x40x128xi32, #tpu.memory_space<hbm>>
      %dma_wait3A_30 = tpu.memref_squeeze %dma_wait3A_29 : memref<1x40x128xi32, #tpu.memory_space<hbm>> -> memref<40x128xi32, #tpu.memory_space<hbm>>
      %dma_wait3A_31 = arith.constant 0 : i32
      %dma_wait3A_32 = arith.constant 0 : i32
      %dma_wait3A_33 = tpu.memref_slice %arg2[%add3A, %dma_wait3A_31, %dma_wait3A_32] : memref<32x40x128xi32, #tpu.memory_space<hbm>> -> memref<1x40x128xi32, #tpu.memory_space<hbm>>
      %dma_wait3A_34 = tpu.memref_squeeze %dma_wait3A_33 : memref<1x40x128xi32, #tpu.memory_space<hbm>> -> memref<40x128xi32, #tpu.memory_space<hbm>>
      tpu.wait_dma2 semaphore(%run_scoped3A : memref<!tpu.dma_semaphore, #tpu.memory_space<semaphore_mem>>) src(%dma_wait3A_34 : memref<40x128xi32, #tpu.memory_space<hbm>>) dst(%arg5 : memref<40x128xi32, #tpu.memory_space<vmem>>)
      tpu.yield
    }) : () -> ()
    %scan3A = arith.constant 0 : i32
    %scan3A_5 = arith.constant 0 : i32
    %scan3A_6 = arith.constant 128 : i32
    %scan3A_7 = arith.addi %scan3A_5, %scan3A_6 : i32
    %scan3A_8 = arith.constant 1 : i32
    scf.for %scan3A_21 = %scan3A_5 to %scan3A_7 step %scan3A_8  : i32 {
      %broadcast_in_dim3A = arith.constant 1.000000e+00 : f32
      %broadcast_in_dim3A_22 = vector.broadcast %broadcast_in_dim3A : f32 to vector<16xf32>
      %swap3A = arith.index_cast %scan3A_21 : i32 to index
      %swap3A_23 = arith.constant 0 : index
      %swap3A_24 = tpu.vector_load %arg6[%swap3A, %swap3A_23] {strides = array<i32>} : memref<128x16xf32, #tpu.memory_space<vmem>>, vector<1x16xf32>,
      %swap3A_25 = vector.shape_cast %swap3A_24 : vector<1x16xf32> to vector<16xf32>
      %swap3A_26 = vector.shape_cast %broadcast_in_dim3A_22 : vector<16xf32> to vector<1x16xf32>
      tpu.vector_store %arg6[%swap3A, %swap3A_23], %swap3A_26 {strides = array<i32>} : memref<128x16xf32, #tpu.memory_space<vmem>>, vector<1x16xf32>,
    }
    %scan3A_9 = arith.constant 128 : i32
    %barrier3A = arith.constant 0 : index
    tpu.barrier barrier_id(%barrier3A)
    %scan3A_10 = arith.constant 0 : i32
    %scan3A_11 = arith.constant 0 : i32
    %scan3A_12 = arith.constant 40 : i32
    %scan3A_13 = arith.addi %scan3A_11, %scan3A_12 : i32
    %scan3A_14 = arith.constant 1 : i32
    scf.for %scan3A_21 = %scan3A_11 to %scan3A_13 step %scan3A_14  : i32 {
      "tpu.region"() ({
        %run_scoped3A = tpu.sem_alloc : memref<!tpu.dma_semaphore, #tpu.memory_space<semaphore_mem>>
        %dma_start3A = arith.constant 0 : i32
        %dma_start3A_22 = tpu.memref_slice %arg5[%scan3A_21, %dma_start3A] : memref<40x128xi32, #tpu.memory_space<vmem>> -> memref<1x128xi32, #tpu.memory_space<vmem>>
        %dma_start3A_23 = tpu.memref_squeeze %dma_start3A_22 : memref<1x128xi32, #tpu.memory_space<vmem>> -> memref<128xi32, #tpu.memory_space<vmem>>
        %dma_start3A_24 = arith.constant 0 : i32
        %dma_start3A_25 = arith.constant 0 : i32
        %dma_start3A_26 = tpu.memref_slice %arg7[%dma_start3A_24, %dma_start3A_25] : memref<10240x16xf32, #tpu.memory_space<vmem_shared>> -> memref<10240x16xf32, #tpu.memory_space<vmem_shared>>
        tpu.enqueue_indirect_dma source(%arg6 : memref<128x16xf32, #tpu.memory_space<vmem>>) target(%dma_start3A_26 : memref<10240x16xf32, #tpu.memory_space<vmem_shared>>) offsets(%dma_start3A_23 : memref<128xi32, #tpu.memory_space<vmem>>) semaphore(%run_scoped3A : memref<!tpu.dma_semaphore, #tpu.memory_space<semaphore_mem>>) {add = true}
        %dma_wait3A = arith.constant 0 : i32
        %dma_wait3A_27 = tpu.memref_slice %arg5[%scan3A_21, %dma_wait3A] : memref<40x128xi32, #tpu.memory_space<vmem>> -> memref<1x128xi32, #tpu.memory_space<vmem>>
        %dma_wait3A_28 = tpu.memref_squeeze %dma_wait3A_27 : memref<1x128xi32, #tpu.memory_space<vmem>> -> memref<128xi32, #tpu.memory_space<vmem>>
        %dma_wait3A_29 = arith.constant 0 : i32
        %dma_wait3A_30 = arith.constant 0 : i32
        %dma_wait3A_31 = tpu.memref_slice %arg7[%dma_wait3A_29, %dma_wait3A_30] : memref<10240x16xf32, #tpu.memory_space<vmem_shared>> -> memref<10240x16xf32, #tpu.memory_space<vmem_shared>>
        tpu.wait_indirect_dma semaphore(%run_scoped3A : memref<!tpu.dma_semaphore, #tpu.memory_space<semaphore_mem>>) src(%arg6 : memref<128x16xf32, #tpu.memory_space<vmem>>) dst(%dma_wait3A_31 : memref<10240x16xf32, #tpu.memory_space<vmem_shared>>)
        tpu.yield
      }) : () -> ()
    }
    %scan3A_15 = arith.constant 40 : i32
    %barrier3A_16 = arith.constant 0 : index
    tpu.barrier barrier_id(%barrier3A_16)
    %mul3A_17 = arith.constant 640 : i32
    %mul3A_18 = arith.muli %arg1, %mul3A_17 : i32
    %mul3A_19 = arith.constant 640 : i32
    %mul3A_20 = arith.muli %arg1, %mul3A_19 : i32
    "tpu.region"() ({
      %run_scoped3A = tpu.sem_alloc : memref<!tpu.dma_semaphore, #tpu.memory_space<semaphore_mem>>
      %dma_start3A = arith.constant 0 : i32
      %dma_start3A_21 = tpu.memref_slice %arg4[%arg0, %mul3A_20, %dma_start3A] : memref<2x10240x16xf32, #tpu.memory_space<hbm>> -> memref<1x640x16xf32, #tpu.memory_space<hbm>>
      %dma_start3A_22 = tpu.memref_squeeze %dma_start3A_21 : memref<1x640x16xf32, #tpu.memory_space<hbm>> -> memref<640x16xf32, #tpu.memory_space<hbm>>
      %dma_start3A_23 = arith.constant 0 : i32
      %dma_start3A_24 = tpu.memref_slice %arg7[%mul3A_18, %dma_start3A_23] : memref<10240x16xf32, #tpu.memory_space<vmem_shared>> -> memref<640x16xf32, #tpu.memory_space<vmem_shared>>
      tpu.enqueue_dma source(%dma_start3A_24 : memref<640x16xf32, #tpu.memory_space<vmem_shared>>) target(%dma_start3A_22 : memref<640x16xf32, #tpu.memory_space<hbm>>) target_semaphore(%run_scoped3A : memref<!tpu.dma_semaphore, #tpu.memory_space<semaphore_mem>>)
      %dma_wait3A = arith.constant 0 : i32
      %dma_wait3A_25 = tpu.memref_slice %arg4[%arg0, %mul3A_20, %dma_wait3A] : memref<2x10240x16xf32, #tpu.memory_space<hbm>> -> memref<1x640x16xf32, #tpu.memory_space<hbm>>
      %dma_wait3A_26 = tpu.memref_squeeze %dma_wait3A_25 : memref<1x640x16xf32, #tpu.memory_space<hbm>> -> memref<640x16xf32, #tpu.memory_space<hbm>>
      %dma_wait3A_27 = arith.constant 0 : i32
      %dma_wait3A_28 = tpu.memref_slice %arg7[%mul3A_18, %dma_wait3A_27] : memref<10240x16xf32, #tpu.memory_space<vmem_shared>> -> memref<640x16xf32, #tpu.memory_space<vmem_shared>>
      tpu.wait_dma2 semaphore(%run_scoped3A : memref<!tpu.dma_semaphore, #tpu.memory_space<semaphore_mem>>) src(%dma_wait3A_28 : memref<640x16xf32, #tpu.memory_space<vmem_shared>>) dst(%dma_wait3A_26 : memref<640x16xf32, #tpu.memory_space<hbm>>)
      tpu.yield
    }) : () -> ()
    return
  }
}

#map = affine_map<(d0, d1) -> (0, 0)>
#map1 = affine_map<(d0, d1) -> (0, 0, 0)>
module attributes {stable_mosaic.version = 14 : i64} {
  func.func @_scat_body(%arg0: i32, %arg1: i32, %arg2: memref<10240x128xf32, #tpu.memory_space<hbm>>, %arg3: memref<10240x128xf32, #tpu.memory_space<hbm>>, %arg4: memref<16x80x128xi32, #tpu.memory_space<hbm>>, %arg5: memref<16x80x128xi32, #tpu.memory_space<hbm>>, %arg6: memref<10240x128xf32, #tpu.memory_space<hbm>>, %arg7: memref<2x10240x128xf32, #tpu.memory_space<hbm>>, %arg8: memref<80x128xi32, #tpu.memory_space<vmem>>, %arg9: memref<80x128xi32, #tpu.memory_space<vmem>>, %arg10: memref<128x128xf32, #tpu.memory_space<vmem>>, %arg11: memref<10240x128xf32, #tpu.memory_space<vmem_shared>>) attributes {dimension_semantics = [#tpu.dimension_semantics<core_parallel>, #tpu.dimension_semantics<subcore_parallel>], iteration_bounds = array<i64: 2, 16>, scalar_prefetch = 0 : i64, scratch_operands = 4 : i64, tpu.core_type = #tpu.core_type<sc_vector_subcore>, window_params = [{transform_indices = #map}, {transform_indices = #map}, {transform_indices = #map1}, {transform_indices = #map1}, {transform_indices = #map}, {transform_indices = #map1}]} {
    %mul3A = arith.constant 640 : i32
    %mul3A_0 = arith.muli %arg1, %mul3A : i32
    %mul3A_1 = arith.constant 640 : i32
    %mul3A_2 = arith.muli %arg1, %mul3A_1 : i32
    "tpu.region"() ({
      %run_scoped3A = tpu.sem_alloc : memref<!tpu.dma_semaphore, #tpu.memory_space<semaphore_mem>>
      %dma_start3A = arith.constant 0 : i32
      %dma_start3A_15 = tpu.memref_slice %arg11[%mul3A_2, %dma_start3A] : memref<10240x128xf32, #tpu.memory_space<vmem_shared>> -> memref<640x128xf32, #tpu.memory_space<vmem_shared>>
      %dma_start3A_16 = arith.constant 0 : i32
      %dma_start3A_17 = tpu.memref_slice %arg6[%mul3A_0, %dma_start3A_16] : memref<10240x128xf32, #tpu.memory_space<hbm>> -> memref<640x128xf32, #tpu.memory_space<hbm>>
      tpu.enqueue_dma source(%dma_start3A_17 : memref<640x128xf32, #tpu.memory_space<hbm>>) target(%dma_start3A_15 : memref<640x128xf32, #tpu.memory_space<vmem_shared>>) target_semaphore(%run_scoped3A : memref<!tpu.dma_semaphore, #tpu.memory_space<semaphore_mem>>)
      %dma_wait3A = arith.constant 0 : i32
      %dma_wait3A_18 = tpu.memref_slice %arg11[%mul3A_2, %dma_wait3A] : memref<10240x128xf32, #tpu.memory_space<vmem_shared>> -> memref<640x128xf32, #tpu.memory_space<vmem_shared>>
      %dma_wait3A_19 = arith.constant 0 : i32
      %dma_wait3A_20 = tpu.memref_slice %arg6[%mul3A_0, %dma_wait3A_19] : memref<10240x128xf32, #tpu.memory_space<hbm>> -> memref<640x128xf32, #tpu.memory_space<hbm>>
      tpu.wait_dma2 semaphore(%run_scoped3A : memref<!tpu.dma_semaphore, #tpu.memory_space<semaphore_mem>>) src(%dma_wait3A_20 : memref<640x128xf32, #tpu.memory_space<hbm>>) dst(%dma_wait3A_18 : memref<640x128xf32, #tpu.memory_space<vmem_shared>>)
      tpu.yield
    }) : () -> ()
    "tpu.region"() ({
      %run_scoped3A = tpu.sem_alloc : memref<!tpu.dma_semaphore, #tpu.memory_space<semaphore_mem>>
      %dma_start3A = arith.constant 0 : i32
      %dma_start3A_15 = arith.constant 0 : i32
      %dma_start3A_16 = tpu.memref_slice %arg4[%arg1, %dma_start3A, %dma_start3A_15] : memref<16x80x128xi32, #tpu.memory_space<hbm>> -> memref<1x80x128xi32, #tpu.memory_space<hbm>>
      %dma_start3A_17 = tpu.memref_squeeze %dma_start3A_16 : memref<1x80x128xi32, #tpu.memory_space<hbm>> -> memref<80x128xi32, #tpu.memory_space<hbm>>
      %dma_start3A_18 = arith.constant 0 : i32
      %dma_start3A_19 = arith.constant 0 : i32
      %dma_start3A_20 = tpu.memref_slice %arg4[%arg1, %dma_start3A_18, %dma_start3A_19] : memref<16x80x128xi32, #tpu.memory_space<hbm>> -> memref<1x80x128xi32, #tpu.memory_space<hbm>>
      %dma_start3A_21 = tpu.memref_squeeze %dma_start3A_20 : memref<1x80x128xi32, #tpu.memory_space<hbm>> -> memref<80x128xi32, #tpu.memory_space<hbm>>
      tpu.enqueue_dma source(%dma_start3A_21 : memref<80x128xi32, #tpu.memory_space<hbm>>) target(%arg8 : memref<80x128xi32, #tpu.memory_space<vmem>>) target_semaphore(%run_scoped3A : memref<!tpu.dma_semaphore, #tpu.memory_space<semaphore_mem>>)
      %dma_wait3A = arith.constant 0 : i32
      %dma_wait3A_22 = arith.constant 0 : i32
      %dma_wait3A_23 = tpu.memref_slice %arg4[%arg1, %dma_wait3A, %dma_wait3A_22] : memref<16x80x128xi32, #tpu.memory_space<hbm>> -> memref<1x80x128xi32, #tpu.memory_space<hbm>>
      %dma_wait3A_24 = tpu.memref_squeeze %dma_wait3A_23 : memref<1x80x128xi32, #tpu.memory_space<hbm>> -> memref<80x128xi32, #tpu.memory_space<hbm>>
      %dma_wait3A_25 = arith.constant 0 : i32
      %dma_wait3A_26 = arith.constant 0 : i32
      %dma_wait3A_27 = tpu.memref_slice %arg4[%arg1, %dma_wait3A_25, %dma_wait3A_26] : memref<16x80x128xi32, #tpu.memory_space<hbm>> -> memref<1x80x128xi32, #tpu.memory_space<hbm>>
      %dma_wait3A_28 = tpu.memref_squeeze %dma_wait3A_27 : memref<1x80x128xi32, #tpu.memory_space<hbm>> -> memref<80x128xi32, #tpu.memory_space<hbm>>
      tpu.wait_dma2 semaphore(%run_scoped3A : memref<!tpu.dma_semaphore, #tpu.memory_space<semaphore_mem>>) src(%dma_wait3A_28 : memref<80x128xi32, #tpu.memory_space<hbm>>) dst(%arg8 : memref<80x128xi32, #tpu.memory_space<vmem>>)
      tpu.yield
    }) : () -> ()
    "tpu.region"() ({
      %run_scoped3A = tpu.sem_alloc : memref<!tpu.dma_semaphore, #tpu.memory_space<semaphore_mem>>
      %dma_start3A = arith.constant 0 : i32
      %dma_start3A_15 = arith.constant 0 : i32
      %dma_start3A_16 = tpu.memref_slice %arg5[%arg1, %dma_start3A, %dma_start3A_15] : memref<16x80x128xi32, #tpu.memory_space<hbm>> -> memref<1x80x128xi32, #tpu.memory_space<hbm>>
      %dma_start3A_17 = tpu.memref_squeeze %dma_start3A_16 : memref<1x80x128xi32, #tpu.memory_space<hbm>> -> memref<80x128xi32, #tpu.memory_space<hbm>>
      %dma_start3A_18 = arith.constant 0 : i32
      %dma_start3A_19 = arith.constant 0 : i32
      %dma_start3A_20 = tpu.memref_slice %arg5[%arg1, %dma_start3A_18, %dma_start3A_19] : memref<16x80x128xi32, #tpu.memory_space<hbm>> -> memref<1x80x128xi32, #tpu.memory_space<hbm>>
      %dma_start3A_21 = tpu.memref_squeeze %dma_start3A_20 : memref<1x80x128xi32, #tpu.memory_space<hbm>> -> memref<80x128xi32, #tpu.memory_space<hbm>>
      tpu.enqueue_dma source(%dma_start3A_21 : memref<80x128xi32, #tpu.memory_space<hbm>>) target(%arg9 : memref<80x128xi32, #tpu.memory_space<vmem>>) target_semaphore(%run_scoped3A : memref<!tpu.dma_semaphore, #tpu.memory_space<semaphore_mem>>)
      %dma_wait3A = arith.constant 0 : i32
      %dma_wait3A_22 = arith.constant 0 : i32
      %dma_wait3A_23 = tpu.memref_slice %arg5[%arg1, %dma_wait3A, %dma_wait3A_22] : memref<16x80x128xi32, #tpu.memory_space<hbm>> -> memref<1x80x128xi32, #tpu.memory_space<hbm>>
      %dma_wait3A_24 = tpu.memref_squeeze %dma_wait3A_23 : memref<1x80x128xi32, #tpu.memory_space<hbm>> -> memref<80x128xi32, #tpu.memory_space<hbm>>
      %dma_wait3A_25 = arith.constant 0 : i32
      %dma_wait3A_26 = arith.constant 0 : i32
      %dma_wait3A_27 = tpu.memref_slice %arg5[%arg1, %dma_wait3A_25, %dma_wait3A_26] : memref<16x80x128xi32, #tpu.memory_space<hbm>> -> memref<1x80x128xi32, #tpu.memory_space<hbm>>
      %dma_wait3A_28 = tpu.memref_squeeze %dma_wait3A_27 : memref<1x80x128xi32, #tpu.memory_space<hbm>> -> memref<80x128xi32, #tpu.memory_space<hbm>>
      tpu.wait_dma2 semaphore(%run_scoped3A : memref<!tpu.dma_semaphore, #tpu.memory_space<semaphore_mem>>) src(%dma_wait3A_28 : memref<80x128xi32, #tpu.memory_space<hbm>>) dst(%arg9 : memref<80x128xi32, #tpu.memory_space<vmem>>)
      tpu.yield
    }) : () -> ()
    %barrier3A = arith.constant 0 : index
    tpu.barrier barrier_id(%barrier3A)
    %eq3A = arith.constant 0 : i32
    %eq3A_3 = arith.cmpi eq, %arg0, %eq3A : i32
    %convert_element_type3A = arith.extui %eq3A_3 : i1 to i32
    %cond3A = arith.constant 0 : i32
    %cond3A_4 = arith.cmpi ne, %convert_element_type3A, %cond3A : i32
    scf.if %cond3A_4 {
      %scan3A = arith.constant 0 : i32
      %scan3A_15 = arith.constant 0 : i32
      %scan3A_16 = arith.constant 80 : i32
      %scan3A_17 = arith.addi %scan3A_15, %scan3A_16 : i32
      %scan3A_18 = arith.constant 1 : i32
      scf.for %scan3A_20 = %scan3A_15 to %scan3A_17 step %scan3A_18  : i32 {
        "tpu.region"() ({
          %run_scoped3A = tpu.sem_alloc : memref<!tpu.dma_semaphore, #tpu.memory_space<semaphore_mem>>
          %dma_start3A = arith.constant 0 : i32
          %dma_start3A_21 = tpu.memref_slice %arg8[%scan3A_20, %dma_start3A] : memref<80x128xi32, #tpu.memory_space<vmem>> -> memref<1x128xi32, #tpu.memory_space<vmem>>
          %dma_start3A_22 = tpu.memref_squeeze %dma_start3A_21 : memref<1x128xi32, #tpu.memory_space<vmem>> -> memref<128xi32, #tpu.memory_space<vmem>>
          %dma_start3A_23 = arith.constant 0 : i32
          %dma_start3A_24 = arith.constant 0 : i32
          %dma_start3A_25 = tpu.memref_slice %arg2[%dma_start3A_23, %dma_start3A_24] : memref<10240x128xf32, #tpu.memory_space<hbm>> -> memref<10240x128xf32, #tpu.memory_space<hbm>>
          tpu.enqueue_indirect_dma source(%dma_start3A_25 : memref<10240x128xf32, #tpu.memory_space<hbm>>) target(%arg10 : memref<128x128xf32, #tpu.memory_space<vmem>>) offsets(%dma_start3A_22 : memref<128xi32, #tpu.memory_space<vmem>>) semaphore(%run_scoped3A : memref<!tpu.dma_semaphore, #tpu.memory_space<semaphore_mem>>)
          %dma_wait3A = arith.constant 0 : i32
          %dma_wait3A_26 = tpu.memref_slice %arg8[%scan3A_20, %dma_wait3A] : memref<80x128xi32, #tpu.memory_space<vmem>> -> memref<1x128xi32, #tpu.memory_space<vmem>>
          %dma_wait3A_27 = tpu.memref_squeeze %dma_wait3A_26 : memref<1x128xi32, #tpu.memory_space<vmem>> -> memref<128xi32, #tpu.memory_space<vmem>>
          %dma_wait3A_28 = arith.constant 0 : i32
          %dma_wait3A_29 = arith.constant 0 : i32
          %dma_wait3A_30 = tpu.memref_slice %arg2[%dma_wait3A_28, %dma_wait3A_29] : memref<10240x128xf32, #tpu.memory_space<hbm>> -> memref<10240x128xf32, #tpu.memory_space<hbm>>
          tpu.wait_indirect_dma semaphore(%run_scoped3A : memref<!tpu.dma_semaphore, #tpu.memory_space<semaphore_mem>>) src(%dma_wait3A_30 : memref<10240x128xf32, #tpu.memory_space<hbm>>) dst(%arg10 : memref<128x128xf32, #tpu.memory_space<vmem>>)
          tpu.yield
        }) : () -> ()
        "tpu.region"() ({
          %run_scoped3A = tpu.sem_alloc : memref<!tpu.dma_semaphore, #tpu.memory_space<semaphore_mem>>
          %dma_start3A = arith.constant 0 : i32
          %dma_start3A_21 = tpu.memref_slice %arg9[%scan3A_20, %dma_start3A] : memref<80x128xi32, #tpu.memory_space<vmem>> -> memref<1x128xi32, #tpu.memory_space<vmem>>
          %dma_start3A_22 = tpu.memref_squeeze %dma_start3A_21 : memref<1x128xi32, #tpu.memory_space<vmem>> -> memref<128xi32, #tpu.memory_space<vmem>>
          %dma_start3A_23 = arith.constant 0 : i32
          %dma_start3A_24 = arith.constant 0 : i32
          %dma_start3A_25 = tpu.memref_slice %arg11[%dma_start3A_23, %dma_start3A_24] : memref<10240x128xf32, #tpu.memory_space<vmem_shared>> -> memref<10240x128xf32, #tpu.memory_space<vmem_shared>>
          tpu.enqueue_indirect_dma source(%arg10 : memref<128x128xf32, #tpu.memory_space<vmem>>) target(%dma_start3A_25 : memref<10240x128xf32, #tpu.memory_space<vmem_shared>>) offsets(%dma_start3A_22 : memref<128xi32, #tpu.memory_space<vmem>>) semaphore(%run_scoped3A : memref<!tpu.dma_semaphore, #tpu.memory_space<semaphore_mem>>) {add = true}
          %dma_wait3A = arith.constant 0 : i32
          %dma_wait3A_26 = tpu.memref_slice %arg9[%scan3A_20, %dma_wait3A] : memref<80x128xi32, #tpu.memory_space<vmem>> -> memref<1x128xi32, #tpu.memory_space<vmem>>
          %dma_wait3A_27 = tpu.memref_squeeze %dma_wait3A_26 : memref<1x128xi32, #tpu.memory_space<vmem>> -> memref<128xi32, #tpu.memory_space<vmem>>
          %dma_wait3A_28 = arith.constant 0 : i32
          %dma_wait3A_29 = arith.constant 0 : i32
          %dma_wait3A_30 = tpu.memref_slice %arg11[%dma_wait3A_28, %dma_wait3A_29] : memref<10240x128xf32, #tpu.memory_space<vmem_shared>> -> memref<10240x128xf32, #tpu.memory_space<vmem_shared>>
          tpu.wait_indirect_dma semaphore(%run_scoped3A : memref<!tpu.dma_semaphore, #tpu.memory_space<semaphore_mem>>) src(%arg10 : memref<128x128xf32, #tpu.memory_space<vmem>>) dst(%dma_wait3A_30 : memref<10240x128xf32, #tpu.memory_space<vmem_shared>>)
          tpu.yield
        }) : () -> ()
      }
      %scan3A_19 = arith.constant 80 : i32
    } else {
    }
    %eq3A_5 = arith.constant 1 : i32
    %eq3A_6 = arith.cmpi eq, %arg0, %eq3A_5 : i32
    %convert_element_type3A_7 = arith.extui %eq3A_6 : i1 to i32
    %cond3A_8 = arith.constant 0 : i32
    %cond3A_9 = arith.cmpi ne, %convert_element_type3A_7, %cond3A_8 : i32
    scf.if %cond3A_9 {
      %scan3A = arith.constant 0 : i32
      %scan3A_15 = arith.constant 0 : i32
      %scan3A_16 = arith.constant 80 : i32
      %scan3A_17 = arith.addi %scan3A_15, %scan3A_16 : i32
      %scan3A_18 = arith.constant 1 : i32
      scf.for %scan3A_20 = %scan3A_15 to %scan3A_17 step %scan3A_18  : i32 {
        "tpu.region"() ({
          %run_scoped3A = tpu.sem_alloc : memref<!tpu.dma_semaphore, #tpu.memory_space<semaphore_mem>>
          %dma_start3A = arith.constant 0 : i32
          %dma_start3A_21 = tpu.memref_slice %arg8[%scan3A_20, %dma_start3A] : memref<80x128xi32, #tpu.memory_space<vmem>> -> memref<1x128xi32, #tpu.memory_space<vmem>>
          %dma_start3A_22 = tpu.memref_squeeze %dma_start3A_21 : memref<1x128xi32, #tpu.memory_space<vmem>> -> memref<128xi32, #tpu.memory_space<vmem>>
          %dma_start3A_23 = arith.constant 0 : i32
          %dma_start3A_24 = arith.constant 0 : i32
          %dma_start3A_25 = tpu.memref_slice %arg3[%dma_start3A_23, %dma_start3A_24] : memref<10240x128xf32, #tpu.memory_space<hbm>> -> memref<10240x128xf32, #tpu.memory_space<hbm>>
          tpu.enqueue_indirect_dma source(%dma_start3A_25 : memref<10240x128xf32, #tpu.memory_space<hbm>>) target(%arg10 : memref<128x128xf32, #tpu.memory_space<vmem>>) offsets(%dma_start3A_22 : memref<128xi32, #tpu.memory_space<vmem>>) semaphore(%run_scoped3A : memref<!tpu.dma_semaphore, #tpu.memory_space<semaphore_mem>>)
          %dma_wait3A = arith.constant 0 : i32
          %dma_wait3A_26 = tpu.memref_slice %arg8[%scan3A_20, %dma_wait3A] : memref<80x128xi32, #tpu.memory_space<vmem>> -> memref<1x128xi32, #tpu.memory_space<vmem>>
          %dma_wait3A_27 = tpu.memref_squeeze %dma_wait3A_26 : memref<1x128xi32, #tpu.memory_space<vmem>> -> memref<128xi32, #tpu.memory_space<vmem>>
          %dma_wait3A_28 = arith.constant 0 : i32
          %dma_wait3A_29 = arith.constant 0 : i32
          %dma_wait3A_30 = tpu.memref_slice %arg3[%dma_wait3A_28, %dma_wait3A_29] : memref<10240x128xf32, #tpu.memory_space<hbm>> -> memref<10240x128xf32, #tpu.memory_space<hbm>>
          tpu.wait_indirect_dma semaphore(%run_scoped3A : memref<!tpu.dma_semaphore, #tpu.memory_space<semaphore_mem>>) src(%dma_wait3A_30 : memref<10240x128xf32, #tpu.memory_space<hbm>>) dst(%arg10 : memref<128x128xf32, #tpu.memory_space<vmem>>)
          tpu.yield
        }) : () -> ()
        "tpu.region"() ({
          %run_scoped3A = tpu.sem_alloc : memref<!tpu.dma_semaphore, #tpu.memory_space<semaphore_mem>>
          %dma_start3A = arith.constant 0 : i32
          %dma_start3A_21 = tpu.memref_slice %arg9[%scan3A_20, %dma_start3A] : memref<80x128xi32, #tpu.memory_space<vmem>> -> memref<1x128xi32, #tpu.memory_space<vmem>>
          %dma_start3A_22 = tpu.memref_squeeze %dma_start3A_21 : memref<1x128xi32, #tpu.memory_space<vmem>> -> memref<128xi32, #tpu.memory_space<vmem>>
          %dma_start3A_23 = arith.constant 0 : i32
          %dma_start3A_24 = arith.constant 0 : i32
          %dma_start3A_25 = tpu.memref_slice %arg11[%dma_start3A_23, %dma_start3A_24] : memref<10240x128xf32, #tpu.memory_space<vmem_shared>> -> memref<10240x128xf32, #tpu.memory_space<vmem_shared>>
          tpu.enqueue_indirect_dma source(%arg10 : memref<128x128xf32, #tpu.memory_space<vmem>>) target(%dma_start3A_25 : memref<10240x128xf32, #tpu.memory_space<vmem_shared>>) offsets(%dma_start3A_22 : memref<128xi32, #tpu.memory_space<vmem>>) semaphore(%run_scoped3A : memref<!tpu.dma_semaphore, #tpu.memory_space<semaphore_mem>>) {add = true}
          %dma_wait3A = arith.constant 0 : i32
          %dma_wait3A_26 = tpu.memref_slice %arg9[%scan3A_20, %dma_wait3A] : memref<80x128xi32, #tpu.memory_space<vmem>> -> memref<1x128xi32, #tpu.memory_space<vmem>>
          %dma_wait3A_27 = tpu.memref_squeeze %dma_wait3A_26 : memref<1x128xi32, #tpu.memory_space<vmem>> -> memref<128xi32, #tpu.memory_space<vmem>>
          %dma_wait3A_28 = arith.constant 0 : i32
          %dma_wait3A_29 = arith.constant 0 : i32
          %dma_wait3A_30 = tpu.memref_slice %arg11[%dma_wait3A_28, %dma_wait3A_29] : memref<10240x128xf32, #tpu.memory_space<vmem_shared>> -> memref<10240x128xf32, #tpu.memory_space<vmem_shared>>
          tpu.wait_indirect_dma semaphore(%run_scoped3A : memref<!tpu.dma_semaphore, #tpu.memory_space<semaphore_mem>>) src(%arg10 : memref<128x128xf32, #tpu.memory_space<vmem>>) dst(%dma_wait3A_30 : memref<10240x128xf32, #tpu.memory_space<vmem_shared>>)
          tpu.yield
        }) : () -> ()
      }
      %scan3A_19 = arith.constant 80 : i32
    } else {
    }
    %barrier3A_10 = arith.constant 0 : index
    tpu.barrier barrier_id(%barrier3A_10)
    %mul3A_11 = arith.constant 640 : i32
    %mul3A_12 = arith.muli %arg1, %mul3A_11 : i32
    %mul3A_13 = arith.constant 640 : i32
    %mul3A_14 = arith.muli %arg1, %mul3A_13 : i32
    "tpu.region"() ({
      %run_scoped3A = tpu.sem_alloc : memref<!tpu.dma_semaphore, #tpu.memory_space<semaphore_mem>>
      %dma_start3A = arith.constant 0 : i32
      %dma_start3A_15 = tpu.memref_slice %arg7[%arg0, %mul3A_14, %dma_start3A] : memref<2x10240x128xf32, #tpu.memory_space<hbm>> -> memref<1x640x128xf32, #tpu.memory_space<hbm>>
      %dma_start3A_16 = tpu.memref_squeeze %dma_start3A_15 : memref<1x640x128xf32, #tpu.memory_space<hbm>> -> memref<640x128xf32, #tpu.memory_space<hbm>>
      %dma_start3A_17 = arith.constant 0 : i32
      %dma_start3A_18 = tpu.memref_slice %arg11[%mul3A_12, %dma_start3A_17] : memref<10240x128xf32, #tpu.memory_space<vmem_shared>> -> memref<640x128xf32, #tpu.memory_space<vmem_shared>>
      tpu.enqueue_dma source(%dma_start3A_18 : memref<640x128xf32, #tpu.memory_space<vmem_shared>>) target(%dma_start3A_16 : memref<640x128xf32, #tpu.memory_space<hbm>>) target_semaphore(%run_scoped3A : memref<!tpu.dma_semaphore, #tpu.memory_space<semaphore_mem>>)
      %dma_wait3A = arith.constant 0 : i32
      %dma_wait3A_19 = tpu.memref_slice %arg7[%arg0, %mul3A_14, %dma_wait3A] : memref<2x10240x128xf32, #tpu.memory_space<hbm>> -> memref<1x640x128xf32, #tpu.memory_space<hbm>>
      %dma_wait3A_20 = tpu.memref_squeeze %dma_wait3A_19 : memref<1x640x128xf32, #tpu.memory_space<hbm>> -> memref<640x128xf32, #tpu.memory_space<hbm>>
      %dma_wait3A_21 = arith.constant 0 : i32
      %dma_wait3A_22 = tpu.memref_slice %arg11[%mul3A_12, %dma_wait3A_21] : memref<10240x128xf32, #tpu.memory_space<vmem_shared>> -> memref<640x128xf32, #tpu.memory_space<vmem_shared>>
      tpu.wait_dma2 semaphore(%run_scoped3A : memref<!tpu.dma_semaphore, #tpu.memory_space<semaphore_mem>>) src(%dma_wait3A_22 : memref<640x128xf32, #tpu.memory_space<vmem_shared>>) dst(%dma_wait3A_20 : memref<640x128xf32, #tpu.memory_space<hbm>>)
      tpu.yield
    }) : () -> ()
    return
  }
}

#map = affine_map<(d0, d1) -> (0, 0)>
#map1 = affine_map<(d0, d1) -> (0, 0, 0)>
module attributes {stable_mosaic.version = 14 : i64} {
  func.func @_scat_body(%arg0: i32, %arg1: i32, %arg2: memref<10240x128xf32, #tpu.memory_space<hbm>>, %arg3: memref<10240x128xf32, #tpu.memory_space<hbm>>, %arg4: memref<16x80x128xi32, #tpu.memory_space<hbm>>, %arg5: memref<16x80x128xi32, #tpu.memory_space<hbm>>, %arg6: memref<10240x128xf32, #tpu.memory_space<hbm>>, %arg7: memref<2x10240x128xf32, #tpu.memory_space<hbm>>, %arg8: memref<80x128xi32, #tpu.memory_space<vmem>>, %arg9: memref<80x128xi32, #tpu.memory_space<vmem>>, %arg10: memref<128x128xf32, #tpu.memory_space<vmem>>, %arg11: memref<10240x128xf32, #tpu.memory_space<vmem_shared>>) attributes {dimension_semantics = [#tpu.dimension_semantics<core_parallel>, #tpu.dimension_semantics<subcore_parallel>], iteration_bounds = array<i64: 2, 16>, scalar_prefetch = 0 : i64, scratch_operands = 4 : i64, tpu.core_type = #tpu.core_type<sc_vector_subcore>, window_params = [{transform_indices = #map}, {transform_indices = #map}, {transform_indices = #map1}, {transform_indices = #map1}, {transform_indices = #map}, {transform_indices = #map1}]} {
    %mul3A = arith.constant 640 : i32
    %mul3A_0 = arith.muli %arg1, %mul3A : i32
    %mul3A_1 = arith.constant 640 : i32
    %mul3A_2 = arith.muli %arg1, %mul3A_1 : i32
    "tpu.region"() ({
      %run_scoped3A = tpu.sem_alloc : memref<!tpu.dma_semaphore, #tpu.memory_space<semaphore_mem>>
      %dma_start3A = arith.constant 0 : i32
      %dma_start3A_15 = tpu.memref_slice %arg11[%mul3A_2, %dma_start3A] : memref<10240x128xf32, #tpu.memory_space<vmem_shared>> -> memref<640x128xf32, #tpu.memory_space<vmem_shared>>
      %dma_start3A_16 = arith.constant 0 : i32
      %dma_start3A_17 = tpu.memref_slice %arg6[%mul3A_0, %dma_start3A_16] : memref<10240x128xf32, #tpu.memory_space<hbm>> -> memref<640x128xf32, #tpu.memory_space<hbm>>
      tpu.enqueue_dma source(%dma_start3A_17 : memref<640x128xf32, #tpu.memory_space<hbm>>) target(%dma_start3A_15 : memref<640x128xf32, #tpu.memory_space<vmem_shared>>) target_semaphore(%run_scoped3A : memref<!tpu.dma_semaphore, #tpu.memory_space<semaphore_mem>>)
      %dma_wait3A = arith.constant 0 : i32
      %dma_wait3A_18 = tpu.memref_slice %arg11[%mul3A_2, %dma_wait3A] : memref<10240x128xf32, #tpu.memory_space<vmem_shared>> -> memref<640x128xf32, #tpu.memory_space<vmem_shared>>
      %dma_wait3A_19 = arith.constant 0 : i32
      %dma_wait3A_20 = tpu.memref_slice %arg6[%mul3A_0, %dma_wait3A_19] : memref<10240x128xf32, #tpu.memory_space<hbm>> -> memref<640x128xf32, #tpu.memory_space<hbm>>
      tpu.wait_dma2 semaphore(%run_scoped3A : memref<!tpu.dma_semaphore, #tpu.memory_space<semaphore_mem>>) src(%dma_wait3A_20 : memref<640x128xf32, #tpu.memory_space<hbm>>) dst(%dma_wait3A_18 : memref<640x128xf32, #tpu.memory_space<vmem_shared>>)
      tpu.yield
    }) : () -> ()
    "tpu.region"() ({
      %run_scoped3A = tpu.sem_alloc : memref<!tpu.dma_semaphore, #tpu.memory_space<semaphore_mem>>
      %dma_start3A = arith.constant 0 : i32
      %dma_start3A_15 = arith.constant 0 : i32
      %dma_start3A_16 = tpu.memref_slice %arg4[%arg1, %dma_start3A, %dma_start3A_15] : memref<16x80x128xi32, #tpu.memory_space<hbm>> -> memref<1x80x128xi32, #tpu.memory_space<hbm>>
      %dma_start3A_17 = tpu.memref_squeeze %dma_start3A_16 : memref<1x80x128xi32, #tpu.memory_space<hbm>> -> memref<80x128xi32, #tpu.memory_space<hbm>>
      %dma_start3A_18 = arith.constant 0 : i32
      %dma_start3A_19 = arith.constant 0 : i32
      %dma_start3A_20 = tpu.memref_slice %arg4[%arg1, %dma_start3A_18, %dma_start3A_19] : memref<16x80x128xi32, #tpu.memory_space<hbm>> -> memref<1x80x128xi32, #tpu.memory_space<hbm>>
      %dma_start3A_21 = tpu.memref_squeeze %dma_start3A_20 : memref<1x80x128xi32, #tpu.memory_space<hbm>> -> memref<80x128xi32, #tpu.memory_space<hbm>>
      tpu.enqueue_dma source(%dma_start3A_21 : memref<80x128xi32, #tpu.memory_space<hbm>>) target(%arg8 : memref<80x128xi32, #tpu.memory_space<vmem>>) target_semaphore(%run_scoped3A : memref<!tpu.dma_semaphore, #tpu.memory_space<semaphore_mem>>)
      %dma_wait3A = arith.constant 0 : i32
      %dma_wait3A_22 = arith.constant 0 : i32
      %dma_wait3A_23 = tpu.memref_slice %arg4[%arg1, %dma_wait3A, %dma_wait3A_22] : memref<16x80x128xi32, #tpu.memory_space<hbm>> -> memref<1x80x128xi32, #tpu.memory_space<hbm>>
      %dma_wait3A_24 = tpu.memref_squeeze %dma_wait3A_23 : memref<1x80x128xi32, #tpu.memory_space<hbm>> -> memref<80x128xi32, #tpu.memory_space<hbm>>
      %dma_wait3A_25 = arith.constant 0 : i32
      %dma_wait3A_26 = arith.constant 0 : i32
      %dma_wait3A_27 = tpu.memref_slice %arg4[%arg1, %dma_wait3A_25, %dma_wait3A_26] : memref<16x80x128xi32, #tpu.memory_space<hbm>> -> memref<1x80x128xi32, #tpu.memory_space<hbm>>
      %dma_wait3A_28 = tpu.memref_squeeze %dma_wait3A_27 : memref<1x80x128xi32, #tpu.memory_space<hbm>> -> memref<80x128xi32, #tpu.memory_space<hbm>>
      tpu.wait_dma2 semaphore(%run_scoped3A : memref<!tpu.dma_semaphore, #tpu.memory_space<semaphore_mem>>) src(%dma_wait3A_28 : memref<80x128xi32, #tpu.memory_space<hbm>>) dst(%arg8 : memref<80x128xi32, #tpu.memory_space<vmem>>)
      tpu.yield
    }) : () -> ()
    "tpu.region"() ({
      %run_scoped3A = tpu.sem_alloc : memref<!tpu.dma_semaphore, #tpu.memory_space<semaphore_mem>>
      %dma_start3A = arith.constant 0 : i32
      %dma_start3A_15 = arith.constant 0 : i32
      %dma_start3A_16 = tpu.memref_slice %arg5[%arg1, %dma_start3A, %dma_start3A_15] : memref<16x80x128xi32, #tpu.memory_space<hbm>> -> memref<1x80x128xi32, #tpu.memory_space<hbm>>
      %dma_start3A_17 = tpu.memref_squeeze %dma_start3A_16 : memref<1x80x128xi32, #tpu.memory_space<hbm>> -> memref<80x128xi32, #tpu.memory_space<hbm>>
      %dma_start3A_18 = arith.constant 0 : i32
      %dma_start3A_19 = arith.constant 0 : i32
      %dma_start3A_20 = tpu.memref_slice %arg5[%arg1, %dma_start3A_18, %dma_start3A_19] : memref<16x80x128xi32, #tpu.memory_space<hbm>> -> memref<1x80x128xi32, #tpu.memory_space<hbm>>
      %dma_start3A_21 = tpu.memref_squeeze %dma_start3A_20 : memref<1x80x128xi32, #tpu.memory_space<hbm>> -> memref<80x128xi32, #tpu.memory_space<hbm>>
      tpu.enqueue_dma source(%dma_start3A_21 : memref<80x128xi32, #tpu.memory_space<hbm>>) target(%arg9 : memref<80x128xi32, #tpu.memory_space<vmem>>) target_semaphore(%run_scoped3A : memref<!tpu.dma_semaphore, #tpu.memory_space<semaphore_mem>>)
      %dma_wait3A = arith.constant 0 : i32
      %dma_wait3A_22 = arith.constant 0 : i32
      %dma_wait3A_23 = tpu.memref_slice %arg5[%arg1, %dma_wait3A, %dma_wait3A_22] : memref<16x80x128xi32, #tpu.memory_space<hbm>> -> memref<1x80x128xi32, #tpu.memory_space<hbm>>
      %dma_wait3A_24 = tpu.memref_squeeze %dma_wait3A_23 : memref<1x80x128xi32, #tpu.memory_space<hbm>> -> memref<80x128xi32, #tpu.memory_space<hbm>>
      %dma_wait3A_25 = arith.constant 0 : i32
      %dma_wait3A_26 = arith.constant 0 : i32
      %dma_wait3A_27 = tpu.memref_slice %arg5[%arg1, %dma_wait3A_25, %dma_wait3A_26] : memref<16x80x128xi32, #tpu.memory_space<hbm>> -> memref<1x80x128xi32, #tpu.memory_space<hbm>>
      %dma_wait3A_28 = tpu.memref_squeeze %dma_wait3A_27 : memref<1x80x128xi32, #tpu.memory_space<hbm>> -> memref<80x128xi32, #tpu.memory_space<hbm>>
      tpu.wait_dma2 semaphore(%run_scoped3A : memref<!tpu.dma_semaphore, #tpu.memory_space<semaphore_mem>>) src(%dma_wait3A_28 : memref<80x128xi32, #tpu.memory_space<hbm>>) dst(%arg9 : memref<80x128xi32, #tpu.memory_space<vmem>>)
      tpu.yield
    }) : () -> ()
    %barrier3A = arith.constant 0 : index
    tpu.barrier barrier_id(%barrier3A)
    %eq3A = arith.constant 0 : i32
    %eq3A_3 = arith.cmpi eq, %arg0, %eq3A : i32
    %convert_element_type3A = arith.extui %eq3A_3 : i1 to i32
    %cond3A = arith.constant 0 : i32
    %cond3A_4 = arith.cmpi ne, %convert_element_type3A, %cond3A : i32
    scf.if %cond3A_4 {
      %scan3A = arith.constant 0 : i32
      %scan3A_15 = arith.constant 0 : i32
      %scan3A_16 = arith.constant 80 : i32
      %scan3A_17 = arith.addi %scan3A_15, %scan3A_16 : i32
      %scan3A_18 = arith.constant 1 : i32
      scf.for %scan3A_20 = %scan3A_15 to %scan3A_17 step %scan3A_18  : i32 {
        "tpu.region"() ({
          %run_scoped3A = tpu.sem_alloc : memref<!tpu.dma_semaphore, #tpu.memory_space<semaphore_mem>>
          %dma_start3A = arith.constant 0 : i32
          %dma_start3A_21 = tpu.memref_slice %arg8[%scan3A_20, %dma_start3A] : memref<80x128xi32, #tpu.memory_space<vmem>> -> memref<1x128xi32, #tpu.memory_space<vmem>>
          %dma_start3A_22 = tpu.memref_squeeze %dma_start3A_21 : memref<1x128xi32, #tpu.memory_space<vmem>> -> memref<128xi32, #tpu.memory_space<vmem>>
          %dma_start3A_23 = arith.constant 0 : i32
          %dma_start3A_24 = arith.constant 0 : i32
          %dma_start3A_25 = tpu.memref_slice %arg2[%dma_start3A_23, %dma_start3A_24] : memref<10240x128xf32, #tpu.memory_space<hbm>> -> memref<10240x128xf32, #tpu.memory_space<hbm>>
          tpu.enqueue_indirect_dma source(%dma_start3A_25 : memref<10240x128xf32, #tpu.memory_space<hbm>>) target(%arg10 : memref<128x128xf32, #tpu.memory_space<vmem>>) offsets(%dma_start3A_22 : memref<128xi32, #tpu.memory_space<vmem>>) semaphore(%run_scoped3A : memref<!tpu.dma_semaphore, #tpu.memory_space<semaphore_mem>>)
          %dma_wait3A = arith.constant 0 : i32
          %dma_wait3A_26 = tpu.memref_slice %arg8[%scan3A_20, %dma_wait3A] : memref<80x128xi32, #tpu.memory_space<vmem>> -> memref<1x128xi32, #tpu.memory_space<vmem>>
          %dma_wait3A_27 = tpu.memref_squeeze %dma_wait3A_26 : memref<1x128xi32, #tpu.memory_space<vmem>> -> memref<128xi32, #tpu.memory_space<vmem>>
          %dma_wait3A_28 = arith.constant 0 : i32
          %dma_wait3A_29 = arith.constant 0 : i32
          %dma_wait3A_30 = tpu.memref_slice %arg2[%dma_wait3A_28, %dma_wait3A_29] : memref<10240x128xf32, #tpu.memory_space<hbm>> -> memref<10240x128xf32, #tpu.memory_space<hbm>>
          tpu.wait_indirect_dma semaphore(%run_scoped3A : memref<!tpu.dma_semaphore, #tpu.memory_space<semaphore_mem>>) src(%dma_wait3A_30 : memref<10240x128xf32, #tpu.memory_space<hbm>>) dst(%arg10 : memref<128x128xf32, #tpu.memory_space<vmem>>)
          tpu.yield
        }) : () -> ()
        "tpu.region"() ({
          %run_scoped3A = tpu.sem_alloc : memref<!tpu.dma_semaphore, #tpu.memory_space<semaphore_mem>>
          %dma_start3A = arith.constant 0 : i32
          %dma_start3A_21 = tpu.memref_slice %arg9[%scan3A_20, %dma_start3A] : memref<80x128xi32, #tpu.memory_space<vmem>> -> memref<1x128xi32, #tpu.memory_space<vmem>>
          %dma_start3A_22 = tpu.memref_squeeze %dma_start3A_21 : memref<1x128xi32, #tpu.memory_space<vmem>> -> memref<128xi32, #tpu.memory_space<vmem>>
          %dma_start3A_23 = arith.constant 0 : i32
          %dma_start3A_24 = arith.constant 0 : i32
          %dma_start3A_25 = tpu.memref_slice %arg11[%dma_start3A_23, %dma_start3A_24] : memref<10240x128xf32, #tpu.memory_space<vmem_shared>> -> memref<10240x128xf32, #tpu.memory_space<vmem_shared>>
          tpu.enqueue_indirect_dma source(%arg10 : memref<128x128xf32, #tpu.memory_space<vmem>>) target(%dma_start3A_25 : memref<10240x128xf32, #tpu.memory_space<vmem_shared>>) offsets(%dma_start3A_22 : memref<128xi32, #tpu.memory_space<vmem>>) semaphore(%run_scoped3A : memref<!tpu.dma_semaphore, #tpu.memory_space<semaphore_mem>>) {add = true}
          %dma_wait3A = arith.constant 0 : i32
          %dma_wait3A_26 = tpu.memref_slice %arg9[%scan3A_20, %dma_wait3A] : memref<80x128xi32, #tpu.memory_space<vmem>> -> memref<1x128xi32, #tpu.memory_space<vmem>>
          %dma_wait3A_27 = tpu.memref_squeeze %dma_wait3A_26 : memref<1x128xi32, #tpu.memory_space<vmem>> -> memref<128xi32, #tpu.memory_space<vmem>>
          %dma_wait3A_28 = arith.constant 0 : i32
          %dma_wait3A_29 = arith.constant 0 : i32
          %dma_wait3A_30 = tpu.memref_slice %arg11[%dma_wait3A_28, %dma_wait3A_29] : memref<10240x128xf32, #tpu.memory_space<vmem_shared>> -> memref<10240x128xf32, #tpu.memory_space<vmem_shared>>
          tpu.wait_indirect_dma semaphore(%run_scoped3A : memref<!tpu.dma_semaphore, #tpu.memory_space<semaphore_mem>>) src(%arg10 : memref<128x128xf32, #tpu.memory_space<vmem>>) dst(%dma_wait3A_30 : memref<10240x128xf32, #tpu.memory_space<vmem_shared>>)
          tpu.yield
        }) : () -> ()
      }
      %scan3A_19 = arith.constant 80 : i32
    } else {
    }
    %eq3A_5 = arith.constant 1 : i32
    %eq3A_6 = arith.cmpi eq, %arg0, %eq3A_5 : i32
    %convert_element_type3A_7 = arith.extui %eq3A_6 : i1 to i32
    %cond3A_8 = arith.constant 0 : i32
    %cond3A_9 = arith.cmpi ne, %convert_element_type3A_7, %cond3A_8 : i32
    scf.if %cond3A_9 {
      %scan3A = arith.constant 0 : i32
      %scan3A_15 = arith.constant 0 : i32
      %scan3A_16 = arith.constant 80 : i32
      %scan3A_17 = arith.addi %scan3A_15, %scan3A_16 : i32
      %scan3A_18 = arith.constant 1 : i32
      scf.for %scan3A_20 = %scan3A_15 to %scan3A_17 step %scan3A_18  : i32 {
        "tpu.region"() ({
          %run_scoped3A = tpu.sem_alloc : memref<!tpu.dma_semaphore, #tpu.memory_space<semaphore_mem>>
          %dma_start3A = arith.constant 0 : i32
          %dma_start3A_21 = tpu.memref_slice %arg8[%scan3A_20, %dma_start3A] : memref<80x128xi32, #tpu.memory_space<vmem>> -> memref<1x128xi32, #tpu.memory_space<vmem>>
          %dma_start3A_22 = tpu.memref_squeeze %dma_start3A_21 : memref<1x128xi32, #tpu.memory_space<vmem>> -> memref<128xi32, #tpu.memory_space<vmem>>
          %dma_start3A_23 = arith.constant 0 : i32
          %dma_start3A_24 = arith.constant 0 : i32
          %dma_start3A_25 = tpu.memref_slice %arg3[%dma_start3A_23, %dma_start3A_24] : memref<10240x128xf32, #tpu.memory_space<hbm>> -> memref<10240x128xf32, #tpu.memory_space<hbm>>
          tpu.enqueue_indirect_dma source(%dma_start3A_25 : memref<10240x128xf32, #tpu.memory_space<hbm>>) target(%arg10 : memref<128x128xf32, #tpu.memory_space<vmem>>) offsets(%dma_start3A_22 : memref<128xi32, #tpu.memory_space<vmem>>) semaphore(%run_scoped3A : memref<!tpu.dma_semaphore, #tpu.memory_space<semaphore_mem>>)
          %dma_wait3A = arith.constant 0 : i32
          %dma_wait3A_26 = tpu.memref_slice %arg8[%scan3A_20, %dma_wait3A] : memref<80x128xi32, #tpu.memory_space<vmem>> -> memref<1x128xi32, #tpu.memory_space<vmem>>
          %dma_wait3A_27 = tpu.memref_squeeze %dma_wait3A_26 : memref<1x128xi32, #tpu.memory_space<vmem>> -> memref<128xi32, #tpu.memory_space<vmem>>
          %dma_wait3A_28 = arith.constant 0 : i32
          %dma_wait3A_29 = arith.constant 0 : i32
          %dma_wait3A_30 = tpu.memref_slice %arg3[%dma_wait3A_28, %dma_wait3A_29] : memref<10240x128xf32, #tpu.memory_space<hbm>> -> memref<10240x128xf32, #tpu.memory_space<hbm>>
          tpu.wait_indirect_dma semaphore(%run_scoped3A : memref<!tpu.dma_semaphore, #tpu.memory_space<semaphore_mem>>) src(%dma_wait3A_30 : memref<10240x128xf32, #tpu.memory_space<hbm>>) dst(%arg10 : memref<128x128xf32, #tpu.memory_space<vmem>>)
          tpu.yield
        }) : () -> ()
        "tpu.region"() ({
          %run_scoped3A = tpu.sem_alloc : memref<!tpu.dma_semaphore, #tpu.memory_space<semaphore_mem>>
          %dma_start3A = arith.constant 0 : i32
          %dma_start3A_21 = tpu.memref_slice %arg9[%scan3A_20, %dma_start3A] : memref<80x128xi32, #tpu.memory_space<vmem>> -> memref<1x128xi32, #tpu.memory_space<vmem>>
          %dma_start3A_22 = tpu.memref_squeeze %dma_start3A_21 : memref<1x128xi32, #tpu.memory_space<vmem>> -> memref<128xi32, #tpu.memory_space<vmem>>
          %dma_start3A_23 = arith.constant 0 : i32
          %dma_start3A_24 = arith.constant 0 : i32
          %dma_start3A_25 = tpu.memref_slice %arg11[%dma_start3A_23, %dma_start3A_24] : memref<10240x128xf32, #tpu.memory_space<vmem_shared>> -> memref<10240x128xf32, #tpu.memory_space<vmem_shared>>
          tpu.enqueue_indirect_dma source(%arg10 : memref<128x128xf32, #tpu.memory_space<vmem>>) target(%dma_start3A_25 : memref<10240x128xf32, #tpu.memory_space<vmem_shared>>) offsets(%dma_start3A_22 : memref<128xi32, #tpu.memory_space<vmem>>) semaphore(%run_scoped3A : memref<!tpu.dma_semaphore, #tpu.memory_space<semaphore_mem>>) {add = true}
          %dma_wait3A = arith.constant 0 : i32
          %dma_wait3A_26 = tpu.memref_slice %arg9[%scan3A_20, %dma_wait3A] : memref<80x128xi32, #tpu.memory_space<vmem>> -> memref<1x128xi32, #tpu.memory_space<vmem>>
          %dma_wait3A_27 = tpu.memref_squeeze %dma_wait3A_26 : memref<1x128xi32, #tpu.memory_space<vmem>> -> memref<128xi32, #tpu.memory_space<vmem>>
          %dma_wait3A_28 = arith.constant 0 : i32
          %dma_wait3A_29 = arith.constant 0 : i32
          %dma_wait3A_30 = tpu.memref_slice %arg11[%dma_wait3A_28, %dma_wait3A_29] : memref<10240x128xf32, #tpu.memory_space<vmem_shared>> -> memref<10240x128xf32, #tpu.memory_space<vmem_shared>>
          tpu.wait_indirect_dma semaphore(%run_scoped3A : memref<!tpu.dma_semaphore, #tpu.memory_space<semaphore_mem>>) src(%arg10 : memref<128x128xf32, #tpu.memory_space<vmem>>) dst(%dma_wait3A_30 : memref<10240x128xf32, #tpu.memory_space<vmem_shared>>)
          tpu.yield
        }) : () -> ()
      }
      %scan3A_19 = arith.constant 80 : i32
    } else {
    }
    %barrier3A_10 = arith.constant 0 : index
    tpu.barrier barrier_id(%barrier3A_10)
    %mul3A_11 = arith.constant 640 : i32
    %mul3A_12 = arith.muli %arg1, %mul3A_11 : i32
    %mul3A_13 = arith.constant 640 : i32
    %mul3A_14 = arith.muli %arg1, %mul3A_13 : i32
    "tpu.region"() ({
      %run_scoped3A = tpu.sem_alloc : memref<!tpu.dma_semaphore, #tpu.memory_space<semaphore_mem>>
      %dma_start3A = arith.constant 0 : i32
      %dma_start3A_15 = tpu.memref_slice %arg7[%arg0, %mul3A_14, %dma_start3A] : memref<2x10240x128xf32, #tpu.memory_space<hbm>> -> memref<1x640x128xf32, #tpu.memory_space<hbm>>
      %dma_start3A_16 = tpu.memref_squeeze %dma_start3A_15 : memref<1x640x128xf32, #tpu.memory_space<hbm>> -> memref<640x128xf32, #tpu.memory_space<hbm>>
      %dma_start3A_17 = arith.constant 0 : i32
      %dma_start3A_18 = tpu.memref_slice %arg11[%mul3A_12, %dma_start3A_17] : memref<10240x128xf32, #tpu.memory_space<vmem_shared>> -> memref<640x128xf32, #tpu.memory_space<vmem_shared>>
      tpu.enqueue_dma source(%dma_start3A_18 : memref<640x128xf32, #tpu.memory_space<vmem_shared>>) target(%dma_start3A_16 : memref<640x128xf32, #tpu.memory_space<hbm>>) target_semaphore(%run_scoped3A : memref<!tpu.dma_semaphore, #tpu.memory_space<semaphore_mem>>)
      %dma_wait3A = arith.constant 0 : i32
      %dma_wait3A_19 = tpu.memref_slice %arg7[%arg0, %mul3A_14, %dma_wait3A] : memref<2x10240x128xf32, #tpu.memory_space<hbm>> -> memref<1x640x128xf32, #tpu.memory_space<hbm>>
      %dma_wait3A_20 = tpu.memref_squeeze %dma_wait3A_19 : memref<1x640x128xf32, #tpu.memory_space<hbm>> -> memref<640x128xf32, #tpu.memory_space<hbm>>
      %dma_wait3A_21 = arith.constant 0 : i32
      %dma_wait3A_22 = tpu.memref_slice %arg11[%mul3A_12, %dma_wait3A_21] : memref<10240x128xf32, #tpu.memory_space<vmem_shared>> -> memref<640x128xf32, #tpu.memory_space<vmem_shared>>
      tpu.wait_dma2 semaphore(%run_scoped3A : memref<!tpu.dma_semaphore, #tpu.memory_space<semaphore_mem>>) src(%dma_wait3A_22 : memref<640x128xf32, #tpu.memory_space<vmem_shared>>) dst(%dma_wait3A_20 : memref<640x128xf32, #tpu.memory_space<hbm>>)
      tpu.yield
    }) : () -> ()
    return
  }
}

#map = affine_map<(d0, d1) -> (0, 0)>
#map1 = affine_map<(d0, d1) -> (0, 0, 0)>
module attributes {stable_mosaic.version = 14 : i64} {
  func.func @_scat_body(%arg0: i32, %arg1: i32, %arg2: memref<10240x128xf32, #tpu.memory_space<hbm>>, %arg3: memref<10240x128xf32, #tpu.memory_space<hbm>>, %arg4: memref<16x80x128xi32, #tpu.memory_space<hbm>>, %arg5: memref<16x80x128xi32, #tpu.memory_space<hbm>>, %arg6: memref<10240x128xf32, #tpu.memory_space<hbm>>, %arg7: memref<2x10240x128xf32, #tpu.memory_space<hbm>>, %arg8: memref<80x128xi32, #tpu.memory_space<vmem>>, %arg9: memref<80x128xi32, #tpu.memory_space<vmem>>, %arg10: memref<128x128xf32, #tpu.memory_space<vmem>>, %arg11: memref<10240x128xf32, #tpu.memory_space<vmem_shared>>) attributes {dimension_semantics = [#tpu.dimension_semantics<core_parallel>, #tpu.dimension_semantics<subcore_parallel>], iteration_bounds = array<i64: 2, 16>, scalar_prefetch = 0 : i64, scratch_operands = 4 : i64, tpu.core_type = #tpu.core_type<sc_vector_subcore>, window_params = [{transform_indices = #map}, {transform_indices = #map}, {transform_indices = #map1}, {transform_indices = #map1}, {transform_indices = #map}, {transform_indices = #map1}]} {
    %mul3A = arith.constant 640 : i32
    %mul3A_0 = arith.muli %arg1, %mul3A : i32
    %mul3A_1 = arith.constant 640 : i32
    %mul3A_2 = arith.muli %arg1, %mul3A_1 : i32
    "tpu.region"() ({
      %run_scoped3A = tpu.sem_alloc : memref<!tpu.dma_semaphore, #tpu.memory_space<semaphore_mem>>
      %dma_start3A = arith.constant 0 : i32
      %dma_start3A_15 = tpu.memref_slice %arg11[%mul3A_2, %dma_start3A] : memref<10240x128xf32, #tpu.memory_space<vmem_shared>> -> memref<640x128xf32, #tpu.memory_space<vmem_shared>>
      %dma_start3A_16 = arith.constant 0 : i32
      %dma_start3A_17 = tpu.memref_slice %arg6[%mul3A_0, %dma_start3A_16] : memref<10240x128xf32, #tpu.memory_space<hbm>> -> memref<640x128xf32, #tpu.memory_space<hbm>>
      tpu.enqueue_dma source(%dma_start3A_17 : memref<640x128xf32, #tpu.memory_space<hbm>>) target(%dma_start3A_15 : memref<640x128xf32, #tpu.memory_space<vmem_shared>>) target_semaphore(%run_scoped3A : memref<!tpu.dma_semaphore, #tpu.memory_space<semaphore_mem>>)
      %dma_wait3A = arith.constant 0 : i32
      %dma_wait3A_18 = tpu.memref_slice %arg11[%mul3A_2, %dma_wait3A] : memref<10240x128xf32, #tpu.memory_space<vmem_shared>> -> memref<640x128xf32, #tpu.memory_space<vmem_shared>>
      %dma_wait3A_19 = arith.constant 0 : i32
      %dma_wait3A_20 = tpu.memref_slice %arg6[%mul3A_0, %dma_wait3A_19] : memref<10240x128xf32, #tpu.memory_space<hbm>> -> memref<640x128xf32, #tpu.memory_space<hbm>>
      tpu.wait_dma2 semaphore(%run_scoped3A : memref<!tpu.dma_semaphore, #tpu.memory_space<semaphore_mem>>) src(%dma_wait3A_20 : memref<640x128xf32, #tpu.memory_space<hbm>>) dst(%dma_wait3A_18 : memref<640x128xf32, #tpu.memory_space<vmem_shared>>)
      tpu.yield
    }) : () -> ()
    "tpu.region"() ({
      %run_scoped3A = tpu.sem_alloc : memref<!tpu.dma_semaphore, #tpu.memory_space<semaphore_mem>>
      %dma_start3A = arith.constant 0 : i32
      %dma_start3A_15 = arith.constant 0 : i32
      %dma_start3A_16 = tpu.memref_slice %arg4[%arg1, %dma_start3A, %dma_start3A_15] : memref<16x80x128xi32, #tpu.memory_space<hbm>> -> memref<1x80x128xi32, #tpu.memory_space<hbm>>
      %dma_start3A_17 = tpu.memref_squeeze %dma_start3A_16 : memref<1x80x128xi32, #tpu.memory_space<hbm>> -> memref<80x128xi32, #tpu.memory_space<hbm>>
      %dma_start3A_18 = arith.constant 0 : i32
      %dma_start3A_19 = arith.constant 0 : i32
      %dma_start3A_20 = tpu.memref_slice %arg4[%arg1, %dma_start3A_18, %dma_start3A_19] : memref<16x80x128xi32, #tpu.memory_space<hbm>> -> memref<1x80x128xi32, #tpu.memory_space<hbm>>
      %dma_start3A_21 = tpu.memref_squeeze %dma_start3A_20 : memref<1x80x128xi32, #tpu.memory_space<hbm>> -> memref<80x128xi32, #tpu.memory_space<hbm>>
      tpu.enqueue_dma source(%dma_start3A_21 : memref<80x128xi32, #tpu.memory_space<hbm>>) target(%arg8 : memref<80x128xi32, #tpu.memory_space<vmem>>) target_semaphore(%run_scoped3A : memref<!tpu.dma_semaphore, #tpu.memory_space<semaphore_mem>>)
      %dma_wait3A = arith.constant 0 : i32
      %dma_wait3A_22 = arith.constant 0 : i32
      %dma_wait3A_23 = tpu.memref_slice %arg4[%arg1, %dma_wait3A, %dma_wait3A_22] : memref<16x80x128xi32, #tpu.memory_space<hbm>> -> memref<1x80x128xi32, #tpu.memory_space<hbm>>
      %dma_wait3A_24 = tpu.memref_squeeze %dma_wait3A_23 : memref<1x80x128xi32, #tpu.memory_space<hbm>> -> memref<80x128xi32, #tpu.memory_space<hbm>>
      %dma_wait3A_25 = arith.constant 0 : i32
      %dma_wait3A_26 = arith.constant 0 : i32
      %dma_wait3A_27 = tpu.memref_slice %arg4[%arg1, %dma_wait3A_25, %dma_wait3A_26] : memref<16x80x128xi32, #tpu.memory_space<hbm>> -> memref<1x80x128xi32, #tpu.memory_space<hbm>>
      %dma_wait3A_28 = tpu.memref_squeeze %dma_wait3A_27 : memref<1x80x128xi32, #tpu.memory_space<hbm>> -> memref<80x128xi32, #tpu.memory_space<hbm>>
      tpu.wait_dma2 semaphore(%run_scoped3A : memref<!tpu.dma_semaphore, #tpu.memory_space<semaphore_mem>>) src(%dma_wait3A_28 : memref<80x128xi32, #tpu.memory_space<hbm>>) dst(%arg8 : memref<80x128xi32, #tpu.memory_space<vmem>>)
      tpu.yield
    }) : () -> ()
    "tpu.region"() ({
      %run_scoped3A = tpu.sem_alloc : memref<!tpu.dma_semaphore, #tpu.memory_space<semaphore_mem>>
      %dma_start3A = arith.constant 0 : i32
      %dma_start3A_15 = arith.constant 0 : i32
      %dma_start3A_16 = tpu.memref_slice %arg5[%arg1, %dma_start3A, %dma_start3A_15] : memref<16x80x128xi32, #tpu.memory_space<hbm>> -> memref<1x80x128xi32, #tpu.memory_space<hbm>>
      %dma_start3A_17 = tpu.memref_squeeze %dma_start3A_16 : memref<1x80x128xi32, #tpu.memory_space<hbm>> -> memref<80x128xi32, #tpu.memory_space<hbm>>
      %dma_start3A_18 = arith.constant 0 : i32
      %dma_start3A_19 = arith.constant 0 : i32
      %dma_start3A_20 = tpu.memref_slice %arg5[%arg1, %dma_start3A_18, %dma_start3A_19] : memref<16x80x128xi32, #tpu.memory_space<hbm>> -> memref<1x80x128xi32, #tpu.memory_space<hbm>>
      %dma_start3A_21 = tpu.memref_squeeze %dma_start3A_20 : memref<1x80x128xi32, #tpu.memory_space<hbm>> -> memref<80x128xi32, #tpu.memory_space<hbm>>
      tpu.enqueue_dma source(%dma_start3A_21 : memref<80x128xi32, #tpu.memory_space<hbm>>) target(%arg9 : memref<80x128xi32, #tpu.memory_space<vmem>>) target_semaphore(%run_scoped3A : memref<!tpu.dma_semaphore, #tpu.memory_space<semaphore_mem>>)
      %dma_wait3A = arith.constant 0 : i32
      %dma_wait3A_22 = arith.constant 0 : i32
      %dma_wait3A_23 = tpu.memref_slice %arg5[%arg1, %dma_wait3A, %dma_wait3A_22] : memref<16x80x128xi32, #tpu.memory_space<hbm>> -> memref<1x80x128xi32, #tpu.memory_space<hbm>>
      %dma_wait3A_24 = tpu.memref_squeeze %dma_wait3A_23 : memref<1x80x128xi32, #tpu.memory_space<hbm>> -> memref<80x128xi32, #tpu.memory_space<hbm>>
      %dma_wait3A_25 = arith.constant 0 : i32
      %dma_wait3A_26 = arith.constant 0 : i32
      %dma_wait3A_27 = tpu.memref_slice %arg5[%arg1, %dma_wait3A_25, %dma_wait3A_26] : memref<16x80x128xi32, #tpu.memory_space<hbm>> -> memref<1x80x128xi32, #tpu.memory_space<hbm>>
      %dma_wait3A_28 = tpu.memref_squeeze %dma_wait3A_27 : memref<1x80x128xi32, #tpu.memory_space<hbm>> -> memref<80x128xi32, #tpu.memory_space<hbm>>
      tpu.wait_dma2 semaphore(%run_scoped3A : memref<!tpu.dma_semaphore, #tpu.memory_space<semaphore_mem>>) src(%dma_wait3A_28 : memref<80x128xi32, #tpu.memory_space<hbm>>) dst(%arg9 : memref<80x128xi32, #tpu.memory_space<vmem>>)
      tpu.yield
    }) : () -> ()
    %barrier3A = arith.constant 0 : index
    tpu.barrier barrier_id(%barrier3A)
    %eq3A = arith.constant 0 : i32
    %eq3A_3 = arith.cmpi eq, %arg0, %eq3A : i32
    %convert_element_type3A = arith.extui %eq3A_3 : i1 to i32
    %cond3A = arith.constant 0 : i32
    %cond3A_4 = arith.cmpi ne, %convert_element_type3A, %cond3A : i32
    scf.if %cond3A_4 {
      %scan3A = arith.constant 0 : i32
      %scan3A_15 = arith.constant 0 : i32
      %scan3A_16 = arith.constant 80 : i32
      %scan3A_17 = arith.addi %scan3A_15, %scan3A_16 : i32
      %scan3A_18 = arith.constant 1 : i32
      scf.for %scan3A_20 = %scan3A_15 to %scan3A_17 step %scan3A_18  : i32 {
        "tpu.region"() ({
          %run_scoped3A = tpu.sem_alloc : memref<!tpu.dma_semaphore, #tpu.memory_space<semaphore_mem>>
          %dma_start3A = arith.constant 0 : i32
          %dma_start3A_21 = tpu.memref_slice %arg8[%scan3A_20, %dma_start3A] : memref<80x128xi32, #tpu.memory_space<vmem>> -> memref<1x128xi32, #tpu.memory_space<vmem>>
          %dma_start3A_22 = tpu.memref_squeeze %dma_start3A_21 : memref<1x128xi32, #tpu.memory_space<vmem>> -> memref<128xi32, #tpu.memory_space<vmem>>
          %dma_start3A_23 = arith.constant 0 : i32
          %dma_start3A_24 = arith.constant 0 : i32
          %dma_start3A_25 = tpu.memref_slice %arg2[%dma_start3A_23, %dma_start3A_24] : memref<10240x128xf32, #tpu.memory_space<hbm>> -> memref<10240x128xf32, #tpu.memory_space<hbm>>
          tpu.enqueue_indirect_dma source(%dma_start3A_25 : memref<10240x128xf32, #tpu.memory_space<hbm>>) target(%arg10 : memref<128x128xf32, #tpu.memory_space<vmem>>) offsets(%dma_start3A_22 : memref<128xi32, #tpu.memory_space<vmem>>) semaphore(%run_scoped3A : memref<!tpu.dma_semaphore, #tpu.memory_space<semaphore_mem>>)
          %dma_wait3A = arith.constant 0 : i32
          %dma_wait3A_26 = tpu.memref_slice %arg8[%scan3A_20, %dma_wait3A] : memref<80x128xi32, #tpu.memory_space<vmem>> -> memref<1x128xi32, #tpu.memory_space<vmem>>
          %dma_wait3A_27 = tpu.memref_squeeze %dma_wait3A_26 : memref<1x128xi32, #tpu.memory_space<vmem>> -> memref<128xi32, #tpu.memory_space<vmem>>
          %dma_wait3A_28 = arith.constant 0 : i32
          %dma_wait3A_29 = arith.constant 0 : i32
          %dma_wait3A_30 = tpu.memref_slice %arg2[%dma_wait3A_28, %dma_wait3A_29] : memref<10240x128xf32, #tpu.memory_space<hbm>> -> memref<10240x128xf32, #tpu.memory_space<hbm>>
          tpu.wait_indirect_dma semaphore(%run_scoped3A : memref<!tpu.dma_semaphore, #tpu.memory_space<semaphore_mem>>) src(%dma_wait3A_30 : memref<10240x128xf32, #tpu.memory_space<hbm>>) dst(%arg10 : memref<128x128xf32, #tpu.memory_space<vmem>>)
          tpu.yield
        }) : () -> ()
        "tpu.region"() ({
          %run_scoped3A = tpu.sem_alloc : memref<!tpu.dma_semaphore, #tpu.memory_space<semaphore_mem>>
          %dma_start3A = arith.constant 0 : i32
          %dma_start3A_21 = tpu.memref_slice %arg9[%scan3A_20, %dma_start3A] : memref<80x128xi32, #tpu.memory_space<vmem>> -> memref<1x128xi32, #tpu.memory_space<vmem>>
          %dma_start3A_22 = tpu.memref_squeeze %dma_start3A_21 : memref<1x128xi32, #tpu.memory_space<vmem>> -> memref<128xi32, #tpu.memory_space<vmem>>
          %dma_start3A_23 = arith.constant 0 : i32
          %dma_start3A_24 = arith.constant 0 : i32
          %dma_start3A_25 = tpu.memref_slice %arg11[%dma_start3A_23, %dma_start3A_24] : memref<10240x128xf32, #tpu.memory_space<vmem_shared>> -> memref<10240x128xf32, #tpu.memory_space<vmem_shared>>
          tpu.enqueue_indirect_dma source(%arg10 : memref<128x128xf32, #tpu.memory_space<vmem>>) target(%dma_start3A_25 : memref<10240x128xf32, #tpu.memory_space<vmem_shared>>) offsets(%dma_start3A_22 : memref<128xi32, #tpu.memory_space<vmem>>) semaphore(%run_scoped3A : memref<!tpu.dma_semaphore, #tpu.memory_space<semaphore_mem>>) {add = true}
          %dma_wait3A = arith.constant 0 : i32
          %dma_wait3A_26 = tpu.memref_slice %arg9[%scan3A_20, %dma_wait3A] : memref<80x128xi32, #tpu.memory_space<vmem>> -> memref<1x128xi32, #tpu.memory_space<vmem>>
          %dma_wait3A_27 = tpu.memref_squeeze %dma_wait3A_26 : memref<1x128xi32, #tpu.memory_space<vmem>> -> memref<128xi32, #tpu.memory_space<vmem>>
          %dma_wait3A_28 = arith.constant 0 : i32
          %dma_wait3A_29 = arith.constant 0 : i32
          %dma_wait3A_30 = tpu.memref_slice %arg11[%dma_wait3A_28, %dma_wait3A_29] : memref<10240x128xf32, #tpu.memory_space<vmem_shared>> -> memref<10240x128xf32, #tpu.memory_space<vmem_shared>>
          tpu.wait_indirect_dma semaphore(%run_scoped3A : memref<!tpu.dma_semaphore, #tpu.memory_space<semaphore_mem>>) src(%arg10 : memref<128x128xf32, #tpu.memory_space<vmem>>) dst(%dma_wait3A_30 : memref<10240x128xf32, #tpu.memory_space<vmem_shared>>)
          tpu.yield
        }) : () -> ()
      }
      %scan3A_19 = arith.constant 80 : i32
    } else {
    }
    %eq3A_5 = arith.constant 1 : i32
    %eq3A_6 = arith.cmpi eq, %arg0, %eq3A_5 : i32
    %convert_element_type3A_7 = arith.extui %eq3A_6 : i1 to i32
    %cond3A_8 = arith.constant 0 : i32
    %cond3A_9 = arith.cmpi ne, %convert_element_type3A_7, %cond3A_8 : i32
    scf.if %cond3A_9 {
      %scan3A = arith.constant 0 : i32
      %scan3A_15 = arith.constant 0 : i32
      %scan3A_16 = arith.constant 80 : i32
      %scan3A_17 = arith.addi %scan3A_15, %scan3A_16 : i32
      %scan3A_18 = arith.constant 1 : i32
      scf.for %scan3A_20 = %scan3A_15 to %scan3A_17 step %scan3A_18  : i32 {
        "tpu.region"() ({
          %run_scoped3A = tpu.sem_alloc : memref<!tpu.dma_semaphore, #tpu.memory_space<semaphore_mem>>
          %dma_start3A = arith.constant 0 : i32
          %dma_start3A_21 = tpu.memref_slice %arg8[%scan3A_20, %dma_start3A] : memref<80x128xi32, #tpu.memory_space<vmem>> -> memref<1x128xi32, #tpu.memory_space<vmem>>
          %dma_start3A_22 = tpu.memref_squeeze %dma_start3A_21 : memref<1x128xi32, #tpu.memory_space<vmem>> -> memref<128xi32, #tpu.memory_space<vmem>>
          %dma_start3A_23 = arith.constant 0 : i32
          %dma_start3A_24 = arith.constant 0 : i32
          %dma_start3A_25 = tpu.memref_slice %arg3[%dma_start3A_23, %dma_start3A_24] : memref<10240x128xf32, #tpu.memory_space<hbm>> -> memref<10240x128xf32, #tpu.memory_space<hbm>>
          tpu.enqueue_indirect_dma source(%dma_start3A_25 : memref<10240x128xf32, #tpu.memory_space<hbm>>) target(%arg10 : memref<128x128xf32, #tpu.memory_space<vmem>>) offsets(%dma_start3A_22 : memref<128xi32, #tpu.memory_space<vmem>>) semaphore(%run_scoped3A : memref<!tpu.dma_semaphore, #tpu.memory_space<semaphore_mem>>)
          %dma_wait3A = arith.constant 0 : i32
          %dma_wait3A_26 = tpu.memref_slice %arg8[%scan3A_20, %dma_wait3A] : memref<80x128xi32, #tpu.memory_space<vmem>> -> memref<1x128xi32, #tpu.memory_space<vmem>>
          %dma_wait3A_27 = tpu.memref_squeeze %dma_wait3A_26 : memref<1x128xi32, #tpu.memory_space<vmem>> -> memref<128xi32, #tpu.memory_space<vmem>>
          %dma_wait3A_28 = arith.constant 0 : i32
          %dma_wait3A_29 = arith.constant 0 : i32
          %dma_wait3A_30 = tpu.memref_slice %arg3[%dma_wait3A_28, %dma_wait3A_29] : memref<10240x128xf32, #tpu.memory_space<hbm>> -> memref<10240x128xf32, #tpu.memory_space<hbm>>
          tpu.wait_indirect_dma semaphore(%run_scoped3A : memref<!tpu.dma_semaphore, #tpu.memory_space<semaphore_mem>>) src(%dma_wait3A_30 : memref<10240x128xf32, #tpu.memory_space<hbm>>) dst(%arg10 : memref<128x128xf32, #tpu.memory_space<vmem>>)
          tpu.yield
        }) : () -> ()
        "tpu.region"() ({
          %run_scoped3A = tpu.sem_alloc : memref<!tpu.dma_semaphore, #tpu.memory_space<semaphore_mem>>
          %dma_start3A = arith.constant 0 : i32
          %dma_start3A_21 = tpu.memref_slice %arg9[%scan3A_20, %dma_start3A] : memref<80x128xi32, #tpu.memory_space<vmem>> -> memref<1x128xi32, #tpu.memory_space<vmem>>
          %dma_start3A_22 = tpu.memref_squeeze %dma_start3A_21 : memref<1x128xi32, #tpu.memory_space<vmem>> -> memref<128xi32, #tpu.memory_space<vmem>>
          %dma_start3A_23 = arith.constant 0 : i32
          %dma_start3A_24 = arith.constant 0 : i32
          %dma_start3A_25 = tpu.memref_slice %arg11[%dma_start3A_23, %dma_start3A_24] : memref<10240x128xf32, #tpu.memory_space<vmem_shared>> -> memref<10240x128xf32, #tpu.memory_space<vmem_shared>>
          tpu.enqueue_indirect_dma source(%arg10 : memref<128x128xf32, #tpu.memory_space<vmem>>) target(%dma_start3A_25 : memref<10240x128xf32, #tpu.memory_space<vmem_shared>>) offsets(%dma_start3A_22 : memref<128xi32, #tpu.memory_space<vmem>>) semaphore(%run_scoped3A : memref<!tpu.dma_semaphore, #tpu.memory_space<semaphore_mem>>) {add = true}
          %dma_wait3A = arith.constant 0 : i32
          %dma_wait3A_26 = tpu.memref_slice %arg9[%scan3A_20, %dma_wait3A] : memref<80x128xi32, #tpu.memory_space<vmem>> -> memref<1x128xi32, #tpu.memory_space<vmem>>
          %dma_wait3A_27 = tpu.memref_squeeze %dma_wait3A_26 : memref<1x128xi32, #tpu.memory_space<vmem>> -> memref<128xi32, #tpu.memory_space<vmem>>
          %dma_wait3A_28 = arith.constant 0 : i32
          %dma_wait3A_29 = arith.constant 0 : i32
          %dma_wait3A_30 = tpu.memref_slice %arg11[%dma_wait3A_28, %dma_wait3A_29] : memref<10240x128xf32, #tpu.memory_space<vmem_shared>> -> memref<10240x128xf32, #tpu.memory_space<vmem_shared>>
          tpu.wait_indirect_dma semaphore(%run_scoped3A : memref<!tpu.dma_semaphore, #tpu.memory_space<semaphore_mem>>) src(%arg10 : memref<128x128xf32, #tpu.memory_space<vmem>>) dst(%dma_wait3A_30 : memref<10240x128xf32, #tpu.memory_space<vmem_shared>>)
          tpu.yield
        }) : () -> ()
      }
      %scan3A_19 = arith.constant 80 : i32
    } else {
    }
    %barrier3A_10 = arith.constant 0 : index
    tpu.barrier barrier_id(%barrier3A_10)
    %mul3A_11 = arith.constant 640 : i32
    %mul3A_12 = arith.muli %arg1, %mul3A_11 : i32
    %mul3A_13 = arith.constant 640 : i32
    %mul3A_14 = arith.muli %arg1, %mul3A_13 : i32
    "tpu.region"() ({
      %run_scoped3A = tpu.sem_alloc : memref<!tpu.dma_semaphore, #tpu.memory_space<semaphore_mem>>
      %dma_start3A = arith.constant 0 : i32
      %dma_start3A_15 = tpu.memref_slice %arg7[%arg0, %mul3A_14, %dma_start3A] : memref<2x10240x128xf32, #tpu.memory_space<hbm>> -> memref<1x640x128xf32, #tpu.memory_space<hbm>>
      %dma_start3A_16 = tpu.memref_squeeze %dma_start3A_15 : memref<1x640x128xf32, #tpu.memory_space<hbm>> -> memref<640x128xf32, #tpu.memory_space<hbm>>
      %dma_start3A_17 = arith.constant 0 : i32
      %dma_start3A_18 = tpu.memref_slice %arg11[%mul3A_12, %dma_start3A_17] : memref<10240x128xf32, #tpu.memory_space<vmem_shared>> -> memref<640x128xf32, #tpu.memory_space<vmem_shared>>
      tpu.enqueue_dma source(%dma_start3A_18 : memref<640x128xf32, #tpu.memory_space<vmem_shared>>) target(%dma_start3A_16 : memref<640x128xf32, #tpu.memory_space<hbm>>) target_semaphore(%run_scoped3A : memref<!tpu.dma_semaphore, #tpu.memory_space<semaphore_mem>>)
      %dma_wait3A = arith.constant 0 : i32
      %dma_wait3A_19 = tpu.memref_slice %arg7[%arg0, %mul3A_14, %dma_wait3A] : memref<2x10240x128xf32, #tpu.memory_space<hbm>> -> memref<1x640x128xf32, #tpu.memory_space<hbm>>
      %dma_wait3A_20 = tpu.memref_squeeze %dma_wait3A_19 : memref<1x640x128xf32, #tpu.memory_space<hbm>> -> memref<640x128xf32, #tpu.memory_space<hbm>>
      %dma_wait3A_21 = arith.constant 0 : i32
      %dma_wait3A_22 = tpu.memref_slice %arg11[%mul3A_12, %dma_wait3A_21] : memref<10240x128xf32, #tpu.memory_space<vmem_shared>> -> memref<640x128xf32, #tpu.memory_space<vmem_shared>>
      tpu.wait_dma2 semaphore(%run_scoped3A : memref<!tpu.dma_semaphore, #tpu.memory_space<semaphore_mem>>) src(%dma_wait3A_22 : memref<640x128xf32, #tpu.memory_space<vmem_shared>>) dst(%dma_wait3A_20 : memref<640x128xf32, #tpu.memory_space<hbm>>)
      tpu.yield
    }) : () -> ()
    return
  }
}

module attributes {stable_mosaic.version = 14 : i64} {
  func.func @_dinv_body(%arg0: i32, %arg1: memref<2x640x16xf32, #tpu.memory_space<vmem>>, %arg2: memref<640x128xf32, #tpu.memory_space<vmem>>) attributes {dimension_semantics = [#tpu.dimension_semantics<arbitrary>], iteration_bounds = array<i64: 16>, scalar_prefetch = 0 : i64, scratch_operands = 0 : i64, tpu.core_type = #tpu.core_type<tc>, window_params = [{transform_indices = @transform_0, window_bounds = array<i64: 2, 640, 16>}, {transform_indices = @transform_1, window_bounds = array<i64: 640, 128>}]} {
    %get3A = arith.constant 0 : index
    %get3A_0 = arith.constant 0 : index
    %get3A_1 = arith.constant 0 : index
    %get3A_2 = vector.load %arg1[%get3A, %get3A_0, %get3A_1] : memref<2x640x16xf32, #tpu.memory_space<vmem>>, vector<1x640x16xf32>
    %get3A_3 = vector.shape_cast %get3A_2 : vector<1x640x16xf32> to vector<640x16xf32>
    %get3A_4 = arith.constant 1 : index
    %get3A_5 = arith.constant 0 : index
    %get3A_6 = arith.constant 0 : index
    %get3A_7 = vector.load %arg1[%get3A_4, %get3A_5, %get3A_6] : memref<2x640x16xf32, #tpu.memory_space<vmem>>, vector<1x640x16xf32>
    %get3A_8 = vector.shape_cast %get3A_7 : vector<1x640x16xf32> to vector<640x16xf32>
    %add3A = arith.addf %get3A_3, %get3A_8 : vector<640x16xf32>
    %slice3A = vector.extract_strided_slice %add3A {offsets = [0, 0], sizes = [640, 1], strides = [1, 1]} : vector<640x16xf32> to vector<640x1xf32>
    %add3A_9 = arith.constant 1.000000e+00 : f32
    %add3A_10 = vector.broadcast %add3A_9 : f32 to vector<640x1xf32>
    %add3A_11 = arith.addf %slice3A, %add3A_10 : vector<640x1xf32>
    %rsqrt3A = math.rsqrt %add3A_11 : vector<640x1xf32>
    %broadcast_in_dim3A = vector.shape_cast %rsqrt3A : vector<640x1xf32> to vector<640x1xf32>
    %broadcast_in_dim3A_12 = vector.broadcast %broadcast_in_dim3A : vector<640x1xf32> to vector<640x128xf32>
    %swap3A = arith.constant 0 : index
    %swap3A_13 = arith.constant 0 : index
    %swap3A_14 = vector.load %arg2[%swap3A, %swap3A_13] : memref<640x128xf32, #tpu.memory_space<vmem>>, vector<640x128xf32>
    tpu.vector_store %arg2[%swap3A, %swap3A_13], %broadcast_in_dim3A_12 {strides = array<i32>} : memref<640x128xf32, #tpu.memory_space<vmem>>, vector<640x128xf32>,
    return
  }
  func.func @transform_0(%arg0: i32) -> (i32, i32, i32) {
    %c0_i32 = arith.constant 0 : i32
    %c0_i32_0 = arith.constant 0 : i32
    %c0_i32_1 = arith.constant 0 : i32
    return %c0_i32, %arg0, %c0_i32_0 : i32, i32, i32
  }
  func.func @transform_1(%arg0: i32) -> (i32, i32) {
    %c0_i32 = arith.constant 0 : i32
    %c0_i32_0 = arith.constant 0 : i32
    return %arg0, %c0_i32 : i32, i32
  }
}

module attributes {stable_mosaic.version = 14 : i64} {
  func.func @_l1_body(%arg0: i32, %arg1: memref<640x256xf32, #tpu.memory_space<vmem>>, %arg2: memref<256x256xf32, #tpu.memory_space<vmem>>, %arg3: memref<640x128xf32, #tpu.memory_space<vmem>>, %arg4: memref<640x128xf32, #tpu.memory_space<vmem>>, %arg5: memref<640x128xf32, #tpu.memory_space<vmem>>) attributes {dimension_semantics = [#tpu.dimension_semantics<arbitrary>], iteration_bounds = array<i64: 16>, scalar_prefetch = 0 : i64, scratch_operands = 0 : i64, tpu.core_type = #tpu.core_type<tc>, window_params = [{transform_indices = @transform_0, window_bounds = array<i64: 640, 256>}, {pipeline_mode = #tpu.pipeline_mode<synchronous>, transform_indices = @transform_1, window_bounds = array<i64: 256, 256>}, {transform_indices = @transform_2, window_bounds = array<i64: 640, 128>}, {transform_indices = @transform_3, window_bounds = array<i64: 640, 128>}, {transform_indices = @transform_4, window_bounds = array<i64: 640, 128>}]} {
    %get3A = arith.constant 0 : index
    %get3A_0 = arith.constant 0 : index
    %get3A_1 = vector.load %arg1[%get3A, %get3A_0] : memref<640x256xf32, #tpu.memory_space<vmem>>, vector<640x256xf32>
    %get3A_2 = arith.constant 0 : index
    %get3A_3 = arith.constant 0 : index
    %get3A_4 = vector.load %arg2[%get3A_2, %get3A_3] : memref<256x256xf32, #tpu.memory_space<vmem>>, vector<256x256xf32>
    %dot_general3A = arith.constant dense<0.000000e+00> : vector<640x256xf32>
    %dot_general3A_5 = tpu.matmul %get3A_1, %get3A_4, %dot_general3A {dimension_numbers = #tpu.dot_dimension_numbers<[1], [0], [0], [1], [0, 0, 1, 1], [], []>, transpose_lhs_hint = false} : vector<640x256xf32>, vector<256x256xf32>, vector<640x256xf32> -> vector<640x256xf32>
    %get3A_6 = arith.constant 0 : index
    %get3A_7 = arith.constant 0 : index
    %get3A_8 = vector.load %arg3[%get3A_6, %get3A_7] : memref<640x128xf32, #tpu.memory_space<vmem>>, vector<640x128xf32>
    %slice3A = vector.extract_strided_slice %dot_general3A_5 {offsets = [0, 0], sizes = [640, 128], strides = [1, 1]} : vector<640x256xf32> to vector<640x128xf32>
    %mul3A = arith.mulf %slice3A, %get3A_8 : vector<640x128xf32>
    %swap3A = arith.constant 0 : index
    %swap3A_9 = arith.constant 0 : index
    %swap3A_10 = vector.load %arg4[%swap3A, %swap3A_9] : memref<640x128xf32, #tpu.memory_space<vmem>>, vector<640x128xf32>
    tpu.vector_store %arg4[%swap3A, %swap3A_9], %mul3A {strides = array<i32>} : memref<640x128xf32, #tpu.memory_space<vmem>>, vector<640x128xf32>,
    %slice3A_11 = vector.extract_strided_slice %dot_general3A_5 {offsets = [0, 128], sizes = [640, 128], strides = [1, 1]} : vector<640x256xf32> to vector<640x128xf32>
    %mul3A_12 = arith.mulf %slice3A_11, %get3A_8 : vector<640x128xf32>
    %swap3A_13 = arith.constant 0 : index
    %swap3A_14 = arith.constant 0 : index
    %swap3A_15 = vector.load %arg5[%swap3A_13, %swap3A_14] : memref<640x128xf32, #tpu.memory_space<vmem>>, vector<640x128xf32>
    tpu.vector_store %arg5[%swap3A_13, %swap3A_14], %mul3A_12 {strides = array<i32>} : memref<640x128xf32, #tpu.memory_space<vmem>>, vector<640x128xf32>,
    return
  }
  func.func @transform_0(%arg0: i32) -> (i32, i32) {
    %c0_i32 = arith.constant 0 : i32
    %c0_i32_0 = arith.constant 0 : i32
    return %arg0, %c0_i32 : i32, i32
  }
  func.func @transform_1(%arg0: i32) -> (i32, i32) {
    %c0_i32 = arith.constant 0 : i32
    %c0_i32_0 = arith.constant 0 : i32
    %c0_i32_1 = arith.constant 0 : i32
    return %c0_i32, %c0_i32_0 : i32, i32
  }
  func.func @transform_2(%arg0: i32) -> (i32, i32) {
    %c0_i32 = arith.constant 0 : i32
    %c0_i32_0 = arith.constant 0 : i32
    return %arg0, %c0_i32 : i32, i32
  }
  func.func @transform_3(%arg0: i32) -> (i32, i32) {
    %c0_i32 = arith.constant 0 : i32
    %c0_i32_0 = arith.constant 0 : i32
    return %arg0, %c0_i32 : i32, i32
  }
  func.func @transform_4(%arg0: i32) -> (i32, i32) {
    %c0_i32 = arith.constant 0 : i32
    %c0_i32_0 = arith.constant 0 : i32
    return %arg0, %c0_i32 : i32, i32
  }
}

module attributes {stable_mosaic.version = 14 : i64} {
  func.func @_ep_body(%arg0: i32, %arg1: memref<2x640x128xf32, #tpu.memory_space<vmem>>, %arg2: memref<640x128xf32, #tpu.memory_space<vmem>>, %arg3: memref<640x128xf32, #tpu.memory_space<vmem>>, %arg4: memref<640x128xf32, #tpu.memory_space<vmem>>, %arg5: memref<8x256xf32, #tpu.memory_space<vmem>>, %arg6: memref<256x256xf32, #tpu.memory_space<vmem>>, %arg7: memref<640x128xf32, #tpu.memory_space<vmem>>, %arg8: memref<640x128xf32, #tpu.memory_space<vmem>>) attributes {dimension_semantics = [#tpu.dimension_semantics<arbitrary>], iteration_bounds = array<i64: 16>, scalar_prefetch = 0 : i64, scratch_operands = 0 : i64, tpu.core_type = #tpu.core_type<tc>, window_params = [{transform_indices = @transform_0, window_bounds = array<i64: 2, 640, 128>}, {transform_indices = @transform_1, window_bounds = array<i64: 640, 128>}, {transform_indices = @transform_2, window_bounds = array<i64: 640, 128>}, {transform_indices = @transform_3, window_bounds = array<i64: 640, 128>}, {pipeline_mode = #tpu.pipeline_mode<synchronous>, transform_indices = @transform_4, window_bounds = array<i64: 8, 256>}, {pipeline_mode = #tpu.pipeline_mode<synchronous>, transform_indices = @transform_5, window_bounds = array<i64: 256, 256>}, {transform_indices = @transform_6, window_bounds = array<i64: 640, 128>}, {transform_indices = @transform_7, window_bounds = array<i64: 640, 128>}]} {
    %get3A = arith.constant 0 : index
    %get3A_0 = arith.constant 0 : index
    %get3A_1 = vector.load %arg4[%get3A, %get3A_0] : memref<640x128xf32, #tpu.memory_space<vmem>>, vector<640x128xf32>
    %get3A_2 = arith.constant 0 : index
    %get3A_3 = arith.constant 0 : index
    %get3A_4 = arith.constant 0 : index
    %get3A_5 = vector.load %arg1[%get3A_2, %get3A_3, %get3A_4] : memref<2x640x128xf32, #tpu.memory_space<vmem>>, vector<1x640x128xf32>
    %get3A_6 = vector.shape_cast %get3A_5 : vector<1x640x128xf32> to vector<640x128xf32>
    %get3A_7 = arith.constant 0 : index
    %get3A_8 = arith.constant 0 : index
    %get3A_9 = vector.load %arg2[%get3A_7, %get3A_8] : memref<640x128xf32, #tpu.memory_space<vmem>>, vector<640x128xf32>
    %add3A = arith.addf %get3A_6, %get3A_9 : vector<640x128xf32>
    %mul3A = arith.mulf %get3A_1, %add3A : vector<640x128xf32>
    %get3A_10 = arith.constant 0 : index
    %get3A_11 = arith.constant 0 : index
    %get3A_12 = vector.load %arg5[%get3A_10, %get3A_11] : memref<8x256xf32, #tpu.memory_space<vmem>>, vector<1x128xf32>
    %add3A_13 = vector.broadcast %get3A_12 : vector<1x128xf32> to vector<640x128xf32>
    %add3A_14 = arith.addf %mul3A, %add3A_13 : vector<640x128xf32>
    %max3A = arith.constant 0.000000e+00 : f32
    %max3A_15 = vector.broadcast %max3A : f32 to vector<640x128xf32>
    %max3A_16 = arith.maximumf %add3A_14, %max3A_15 : vector<640x128xf32>
    %get3A_17 = arith.constant 1 : index
    %get3A_18 = arith.constant 0 : index
    %get3A_19 = arith.constant 0 : index
    %get3A_20 = vector.load %arg1[%get3A_17, %get3A_18, %get3A_19] : memref<2x640x128xf32, #tpu.memory_space<vmem>>, vector<1x640x128xf32>
    %get3A_21 = vector.shape_cast %get3A_20 : vector<1x640x128xf32> to vector<640x128xf32>
    %get3A_22 = arith.constant 0 : index
    %get3A_23 = arith.constant 0 : index
    %get3A_24 = vector.load %arg3[%get3A_22, %get3A_23] : memref<640x128xf32, #tpu.memory_space<vmem>>, vector<640x128xf32>
    %add3A_25 = arith.addf %get3A_21, %get3A_24 : vector<640x128xf32>
    %mul3A_26 = arith.mulf %get3A_1, %add3A_25 : vector<640x128xf32>
    %get3A_27 = arith.constant 0 : index
    %get3A_28 = arith.constant 128 : index
    %get3A_29 = vector.load %arg5[%get3A_27, %get3A_28] : memref<8x256xf32, #tpu.memory_space<vmem>>, vector<1x128xf32>
    %add3A_30 = vector.broadcast %get3A_29 : vector<1x128xf32> to vector<640x128xf32>
    %add3A_31 = arith.addf %mul3A_26, %add3A_30 : vector<640x128xf32>
    %max3A_32 = arith.constant 0.000000e+00 : f32
    %max3A_33 = vector.broadcast %max3A_32 : f32 to vector<640x128xf32>
    %max3A_34 = arith.maximumf %add3A_31, %max3A_33 : vector<640x128xf32>
    %get3A_35 = arith.constant 0 : index
    %get3A_36 = arith.constant 0 : index
    %get3A_37 = vector.load %arg6[%get3A_35, %get3A_36] : memref<256x256xf32, #tpu.memory_space<vmem>>, vector<128x256xf32>
    %dot_general3A = arith.constant dense<0.000000e+00> : vector<640x256xf32>
    %dot_general3A_38 = tpu.matmul %max3A_16, %get3A_37, %dot_general3A {dimension_numbers = #tpu.dot_dimension_numbers<[1], [0], [0], [1], [0, 0, 1, 1], [], []>, transpose_lhs_hint = false} : vector<640x128xf32>, vector<128x256xf32>, vector<640x256xf32> -> vector<640x256xf32>
    %get3A_39 = arith.constant 128 : index
    %get3A_40 = arith.constant 0 : index
    %get3A_41 = vector.load %arg6[%get3A_39, %get3A_40] : memref<256x256xf32, #tpu.memory_space<vmem>>, vector<128x256xf32>
    %dot_general3A_42 = arith.constant dense<0.000000e+00> : vector<640x256xf32>
    %dot_general3A_43 = tpu.matmul %max3A_34, %get3A_41, %dot_general3A_42 {dimension_numbers = #tpu.dot_dimension_numbers<[1], [0], [0], [1], [0, 0, 1, 1], [], []>, transpose_lhs_hint = false} : vector<640x128xf32>, vector<128x256xf32>, vector<640x256xf32> -> vector<640x256xf32>
    %add3A_44 = arith.addf %dot_general3A_38, %dot_general3A_43 : vector<640x256xf32>
    %slice3A = vector.extract_strided_slice %add3A_44 {offsets = [0, 0], sizes = [640, 128], strides = [1, 1]} : vector<640x256xf32> to vector<640x128xf32>
    %mul3A_45 = arith.mulf %slice3A, %get3A_1 : vector<640x128xf32>
    %swap3A = arith.constant 0 : index
    %swap3A_46 = arith.constant 0 : index
    %swap3A_47 = vector.load %arg7[%swap3A, %swap3A_46] : memref<640x128xf32, #tpu.memory_space<vmem>>, vector<640x128xf32>
    tpu.vector_store %arg7[%swap3A, %swap3A_46], %mul3A_45 {strides = array<i32>} : memref<640x128xf32, #tpu.memory_space<vmem>>, vector<640x128xf32>,
    %slice3A_48 = vector.extract_strided_slice %add3A_44 {offsets = [0, 128], sizes = [640, 128], strides = [1, 1]} : vector<640x256xf32> to vector<640x128xf32>
    %mul3A_49 = arith.mulf %slice3A_48, %get3A_1 : vector<640x128xf32>
    %swap3A_50 = arith.constant 0 : index
    %swap3A_51 = arith.constant 0 : index
    %swap3A_52 = vector.load %arg8[%swap3A_50, %swap3A_51] : memref<640x128xf32, #tpu.memory_space<vmem>>, vector<640x128xf32>
    tpu.vector_store %arg8[%swap3A_50, %swap3A_51], %mul3A_49 {strides = array<i32>} : memref<640x128xf32, #tpu.memory_space<vmem>>, vector<640x128xf32>,
    return
  }
  func.func @transform_0(%arg0: i32) -> (i32, i32, i32) {
    %c0_i32 = arith.constant 0 : i32
    %c0_i32_0 = arith.constant 0 : i32
    %c0_i32_1 = arith.constant 0 : i32
    return %c0_i32, %arg0, %c0_i32_0 : i32, i32, i32
  }
  func.func @transform_1(%arg0: i32) -> (i32, i32) {
    %c0_i32 = arith.constant 0 : i32
    %c0_i32_0 = arith.constant 0 : i32
    return %arg0, %c0_i32 : i32, i32
  }
  func.func @transform_2(%arg0: i32) -> (i32, i32) {
    %c0_i32 = arith.constant 0 : i32
    %c0_i32_0 = arith.constant 0 : i32
    return %arg0, %c0_i32 : i32, i32
  }
  func.func @transform_3(%arg0: i32) -> (i32, i32) {
    %c0_i32 = arith.constant 0 : i32
    %c0_i32_0 = arith.constant 0 : i32
    return %arg0, %c0_i32 : i32, i32
  }
  func.func @transform_4(%arg0: i32) -> (i32, i32) {
    %c0_i32 = arith.constant 0 : i32
    %c0_i32_0 = arith.constant 0 : i32
    %c0_i32_1 = arith.constant 0 : i32
    return %c0_i32, %c0_i32_0 : i32, i32
  }
  func.func @transform_5(%arg0: i32) -> (i32, i32) {
    %c0_i32 = arith.constant 0 : i32
    %c0_i32_0 = arith.constant 0 : i32
    %c0_i32_1 = arith.constant 0 : i32
    return %c0_i32, %c0_i32_0 : i32, i32
  }
  func.func @transform_6(%arg0: i32) -> (i32, i32) {
    %c0_i32 = arith.constant 0 : i32
    %c0_i32_0 = arith.constant 0 : i32
    return %arg0, %c0_i32 : i32, i32
  }
  func.func @transform_7(%arg0: i32) -> (i32, i32) {
    %c0_i32 = arith.constant 0 : i32
    %c0_i32_0 = arith.constant 0 : i32
    return %arg0, %c0_i32 : i32, i32
  }
}

module attributes {stable_mosaic.version = 14 : i64} {
  func.func @_fin_body(%arg0: i32, %arg1: memref<2x1000x128xf32, #tpu.memory_space<vmem>>, %arg2: memref<1000x128xf32, #tpu.memory_space<vmem>>, %arg3: memref<1000x128xf32, #tpu.memory_space<vmem>>, %arg4: memref<1000x128xf32, #tpu.memory_space<vmem>>, %arg5: memref<8x256xf32, #tpu.memory_space<vmem>>, %arg6: memref<1x1x1000xi32, #tpu.memory_space<vmem>>, %arg7: memref<256x128xf32, #tpu.memory_space<vmem>>, %arg8: memref<8x128xf32, #tpu.memory_space<vmem>>, %arg9: memref<128x128xf32, #tpu.memory_space<vmem>>, %arg10: memref<128x256xf32, #tpu.memory_space<vmem>>) attributes {dimension_semantics = [#tpu.dimension_semantics<arbitrary>], iteration_bounds = array<i64: 10>, scalar_prefetch = 0 : i64, scratch_operands = 1 : i64, tpu.core_type = #tpu.core_type<tc>, window_params = [{transform_indices = @transform_0, window_bounds = array<i64: 2, 1000, 128>}, {transform_indices = @transform_1, window_bounds = array<i64: 1000, 128>}, {transform_indices = @transform_2, window_bounds = array<i64: 1000, 128>}, {transform_indices = @transform_3, window_bounds = array<i64: 1000, 128>}, {pipeline_mode = #tpu.pipeline_mode<synchronous>, transform_indices = @transform_4, window_bounds = array<i64: 8, 256>}, {transform_indices = @transform_5, window_bounds = array<i64: 1, 1, 1000>}, {pipeline_mode = #tpu.pipeline_mode<synchronous>, transform_indices = @transform_6, window_bounds = array<i64: 256, 128>}, {pipeline_mode = #tpu.pipeline_mode<synchronous>, transform_indices = @transform_7, window_bounds = array<i64: 8, 128>}, {pipeline_mode = #tpu.pipeline_mode<synchronous>, transform_indices = @transform_8, window_bounds = array<i64: 128, 128>}]} {
    %get3A = arith.constant 0 : index
    %get3A_0 = arith.constant 0 : index
    %get3A_1 = vector.load %arg4[%get3A, %get3A_0] : memref<1000x128xf32, #tpu.memory_space<vmem>>, vector<1000x128xf32>
    %get3A_2 = arith.constant 0 : index
    %get3A_3 = arith.constant 0 : index
    %get3A_4 = arith.constant 0 : index
    %get3A_5 = vector.load %arg1[%get3A_2, %get3A_3, %get3A_4] : memref<2x1000x128xf32, #tpu.memory_space<vmem>>, vector<1x1000x128xf32>
    %get3A_6 = vector.shape_cast %get3A_5 : vector<1x1000x128xf32> to vector<1000x128xf32>
    %get3A_7 = arith.constant 0 : index
    %get3A_8 = arith.constant 0 : index
    %get3A_9 = vector.load %arg2[%get3A_7, %get3A_8] : memref<1000x128xf32, #tpu.memory_space<vmem>>, vector<1000x128xf32>
    %add3A = arith.addf %get3A_6, %get3A_9 : vector<1000x128xf32>
    %mul3A = arith.mulf %get3A_1, %add3A : vector<1000x128xf32>
    %get3A_10 = arith.constant 0 : index
    %get3A_11 = arith.constant 0 : index
    %get3A_12 = vector.load %arg5[%get3A_10, %get3A_11] : memref<8x256xf32, #tpu.memory_space<vmem>>, vector<1x128xf32>
    %add3A_13 = vector.broadcast %get3A_12 : vector<1x128xf32> to vector<1000x128xf32>
    %add3A_14 = arith.addf %mul3A, %add3A_13 : vector<1000x128xf32>
    %max3A = arith.constant 0.000000e+00 : f32
    %max3A_15 = vector.broadcast %max3A : f32 to vector<1000x128xf32>
    %max3A_16 = arith.maximumf %add3A_14, %max3A_15 : vector<1000x128xf32>
    %get3A_17 = arith.constant 1 : index
    %get3A_18 = arith.constant 0 : index
    %get3A_19 = arith.constant 0 : index
    %get3A_20 = vector.load %arg1[%get3A_17, %get3A_18, %get3A_19] : memref<2x1000x128xf32, #tpu.memory_space<vmem>>, vector<1x1000x128xf32>
    %get3A_21 = vector.shape_cast %get3A_20 : vector<1x1000x128xf32> to vector<1000x128xf32>
    %get3A_22 = arith.constant 0 : index
    %get3A_23 = arith.constant 0 : index
    %get3A_24 = vector.load %arg3[%get3A_22, %get3A_23] : memref<1000x128xf32, #tpu.memory_space<vmem>>, vector<1000x128xf32>
    %add3A_25 = arith.addf %get3A_21, %get3A_24 : vector<1000x128xf32>
    %mul3A_26 = arith.mulf %get3A_1, %add3A_25 : vector<1000x128xf32>
    %get3A_27 = arith.constant 0 : index
    %get3A_28 = arith.constant 128 : index
    %get3A_29 = vector.load %arg5[%get3A_27, %get3A_28] : memref<8x256xf32, #tpu.memory_space<vmem>>, vector<1x128xf32>
    %add3A_30 = vector.broadcast %get3A_29 : vector<1x128xf32> to vector<1000x128xf32>
    %add3A_31 = arith.addf %mul3A_26, %add3A_30 : vector<1000x128xf32>
    %max3A_32 = arith.constant 0.000000e+00 : f32
    %max3A_33 = vector.broadcast %max3A_32 : f32 to vector<1000x128xf32>
    %max3A_34 = arith.maximumf %add3A_31, %max3A_33 : vector<1000x128xf32>
    %get3A_35 = arith.constant 0 : index
    %get3A_36 = arith.constant 0 : index
    %get3A_37 = arith.constant 0 : index
    %get3A_38 = vector.load %arg6[%get3A_35, %get3A_36, %get3A_37] : memref<1x1x1000xi32, #tpu.memory_space<vmem>>, vector<1x1x1000xi32>
    %get3A_39 = vector.shape_cast %get3A_38 : vector<1x1x1000xi32> to vector<1x1000xi32>
    %iota3A = tpu.iota {dimensions = array<i32: 0>} : vector<128x1000xi32>
    %eq3A = vector.broadcast %get3A_39 : vector<1x1000xi32> to vector<128x1000xi32>
    %eq3A_40 = arith.cmpi eq, %iota3A, %eq3A : vector<128x1000xi32>
    %convert_element_type3A = arith.extui %eq3A_40 : vector<128x1000xi1> to vector<128x1000xi32>
    %convert_element_type3A_41 = arith.sitofp %convert_element_type3A : vector<128x1000xi32> to vector<128x1000xf32>
    %eq3A_42 = arith.constant 0 : i32
    %eq3A_43 = arith.cmpi eq, %arg0, %eq3A_42 : i32
    %convert_element_type3A_44 = arith.extui %eq3A_43 : i1 to i32
    %cond3A = arith.constant 0 : i32
    %cond3A_45 = arith.cmpi ne, %convert_element_type3A_44, %cond3A : i32
    scf.if %cond3A_45 {
      %broadcast_in_dim3A = arith.constant 0.000000e+00 : f32
      %broadcast_in_dim3A_67 = vector.broadcast %broadcast_in_dim3A : f32 to vector<128x256xf32>
      %swap3A_68 = arith.constant 0 : index
      %swap3A_69 = arith.constant 0 : index
      %swap3A_70 = vector.load %arg10[%swap3A_68, %swap3A_69] : memref<128x256xf32, #tpu.memory_space<vmem>>, vector<128x256xf32>
      tpu.vector_store %arg10[%swap3A_68, %swap3A_69], %broadcast_in_dim3A_67 {strides = array<i32>} : memref<128x256xf32, #tpu.memory_space<vmem>>, vector<128x256xf32>,
    } else {
    }
    %get3A_46 = arith.constant 0 : index
    %get3A_47 = arith.constant 0 : index
    %get3A_48 = vector.load %arg10[%get3A_46, %get3A_47] : memref<128x256xf32, #tpu.memory_space<vmem>>, vector<128x128xf32>
    %dot_general3A = arith.constant dense<0.000000e+00> : vector<128x128xf32>
    %dot_general3A_49 = tpu.matmul %convert_element_type3A_41, %max3A_16, %dot_general3A {dimension_numbers = #tpu.dot_dimension_numbers<[1], [0], [0], [1], [0, 0, 1, 1], [], []>, transpose_lhs_hint = false} : vector<128x1000xf32>, vector<1000x128xf32>, vector<128x128xf32> -> vector<128x128xf32>
    %add3A_50 = arith.addf %get3A_48, %dot_general3A_49 : vector<128x128xf32>
    %swap3A = arith.constant 0 : index
    %swap3A_51 = arith.constant 0 : index
    %swap3A_52 = vector.load %arg10[%swap3A, %swap3A_51] : memref<128x256xf32, #tpu.memory_space<vmem>>, vector<128x128xf32>
    tpu.vector_store %arg10[%swap3A, %swap3A_51], %add3A_50 {strides = array<i32>} : memref<128x256xf32, #tpu.memory_space<vmem>>, vector<128x128xf32>,
    %get3A_53 = arith.constant 0 : index
    %get3A_54 = arith.constant 128 : index
    %get3A_55 = vector.load %arg10[%get3A_53, %get3A_54] : memref<128x256xf32, #tpu.memory_space<vmem>>, vector<128x128xf32>
    %dot_general3A_56 = arith.constant dense<0.000000e+00> : vector<128x128xf32>
    %dot_general3A_57 = tpu.matmul %convert_element_type3A_41, %max3A_34, %dot_general3A_56 {dimension_numbers = #tpu.dot_dimension_numbers<[1], [0], [0], [1], [0, 0, 1, 1], [], []>, transpose_lhs_hint = false} : vector<128x1000xf32>, vector<1000x128xf32>, vector<128x128xf32> -> vector<128x128xf32>
    %add3A_58 = arith.addf %get3A_55, %dot_general3A_57 : vector<128x128xf32>
    %swap3A_59 = arith.constant 0 : index
    %swap3A_60 = arith.constant 128 : index
    %swap3A_61 = vector.load %arg10[%swap3A_59, %swap3A_60] : memref<128x256xf32, #tpu.memory_space<vmem>>, vector<128x128xf32>
    tpu.vector_store %arg10[%swap3A_59, %swap3A_60], %add3A_58 {strides = array<i32>} : memref<128x256xf32, #tpu.memory_space<vmem>>, vector<128x128xf32>,
    %eq3A_62 = arith.constant 9 : i32
    %eq3A_63 = arith.cmpi eq, %arg0, %eq3A_62 : i32
    %convert_element_type3A_64 = arith.extui %eq3A_63 : i1 to i32
    %cond3A_65 = arith.constant 0 : i32
    %cond3A_66 = arith.cmpi ne, %convert_element_type3A_64, %cond3A_65 : i32
    scf.if %cond3A_66 {
      %get3A_67 = arith.constant 0 : index
      %get3A_68 = arith.constant 0 : index
      %get3A_69 = vector.load %arg10[%get3A_67, %get3A_68] : memref<128x256xf32, #tpu.memory_space<vmem>>, vector<128x256xf32>
      %max3A_70 = arith.constant 0.000000e+00 : f32
      %max3A_71 = vector.broadcast %max3A_70 : f32 to vector<128x256xf32>
      %max3A_72 = arith.maximumf %get3A_69, %max3A_71 : vector<128x256xf32>
      %get3A_73 = arith.constant 0 : index
      %get3A_74 = arith.constant 0 : index
      %get3A_75 = vector.load %arg7[%get3A_73, %get3A_74] : memref<256x128xf32, #tpu.memory_space<vmem>>, vector<256x128xf32>
      %dot_general3A_76 = arith.constant dense<0.000000e+00> : vector<128x128xf32>
      %dot_general3A_77 = tpu.matmul %max3A_72, %get3A_75, %dot_general3A_76 {dimension_numbers = #tpu.dot_dimension_numbers<[1], [0], [0], [1], [0, 0, 1, 1], [], []>, transpose_lhs_hint = false} : vector<128x256xf32>, vector<256x128xf32>, vector<128x128xf32> -> vector<128x128xf32>
      %get3A_78 = arith.constant 0 : index
      %get3A_79 = arith.constant 0 : index
      %get3A_80 = vector.load %arg8[%get3A_78, %get3A_79] : memref<8x128xf32, #tpu.memory_space<vmem>>, vector<1x128xf32>
      %add3A_81 = vector.broadcast %get3A_80 : vector<1x128xf32> to vector<128x128xf32>
      %add3A_82 = arith.addf %dot_general3A_77, %add3A_81 : vector<128x128xf32>
      %iota3A_83 = tpu.iota {dimensions = array<i32: 1>} : vector<128x128xi32>
      %lt3A = arith.constant 40 : i32
      %lt3A_84 = vector.broadcast %lt3A : i32 to vector<128x128xi32>
      %lt3A_85 = arith.cmpi slt, %iota3A_83, %lt3A_84 : vector<128x128xi32>
      %jit3A = arith.constant -1.000000e+30 : f32
      %broadcast_in_dim3A = vector.broadcast %jit3A : f32 to vector<128x128xf32>
      %select_n3A = arith.select %lt3A_85, %add3A_82, %broadcast_in_dim3A : vector<128x128xi1>, vector<128x128xf32>
      %reduce_max3A = arith.constant dense<0xFF800000> : vector<128xf32>
      %reduce_max3A_86 = vector.multi_reduction <maximumf>, %select_n3A, %reduce_max3A [1] : vector<128x128xf32> to vector<128xf32>
      %broadcast_in_dim3A_87 = vector.shape_cast %reduce_max3A_86 : vector<128xf32> to vector<128x1xf32>
      %sub3A = vector.broadcast %broadcast_in_dim3A_87 : vector<128x1xf32> to vector<128x128xf32>
      %sub3A_88 = arith.subf %select_n3A, %sub3A : vector<128x128xf32>
      %exp3A = math.exp %sub3A_88 : vector<128x128xf32>
      %reduce_sum3A = arith.constant dense<0.000000e+00> : vector<128xf32>
      %reduce_sum3A_89 = vector.multi_reduction <add>, %exp3A, %reduce_sum3A [1] : vector<128x128xf32> to vector<128xf32>
      %broadcast_in_dim3A_90 = vector.shape_cast %reduce_sum3A_89 : vector<128xf32> to vector<128x1xf32>
      %log3A = math.log %broadcast_in_dim3A_90 : vector<128x1xf32>
      %add3A_91 = arith.addf %log3A, %broadcast_in_dim3A_87 : vector<128x1xf32>
      %sub3A_92 = vector.broadcast %add3A_91 : vector<128x1xf32> to vector<128x128xf32>
      %sub3A_93 = arith.subf %select_n3A, %sub3A_92 : vector<128x128xf32>
      %swap3A_94 = arith.constant 0 : index
      %swap3A_95 = arith.constant 0 : index
      %swap3A_96 = vector.load %arg9[%swap3A_94, %swap3A_95] : memref<128x128xf32, #tpu.memory_space<vmem>>, vector<128x128xf32>
      tpu.vector_store %arg9[%swap3A_94, %swap3A_95], %sub3A_93 {strides = array<i32>} : memref<128x128xf32, #tpu.memory_space<vmem>>, vector<128x128xf32>,
    } else {
    }
    return
  }
  func.func @transform_0(%arg0: i32) -> (i32, i32, i32) {
    %c0_i32 = arith.constant 0 : i32
    %c0_i32_0 = arith.constant 0 : i32
    %c0_i32_1 = arith.constant 0 : i32
    return %c0_i32, %arg0, %c0_i32_0 : i32, i32, i32
  }
  func.func @transform_1(%arg0: i32) -> (i32, i32) {
    %c0_i32 = arith.constant 0 : i32
    %c0_i32_0 = arith.constant 0 : i32
    return %arg0, %c0_i32 : i32, i32
  }
  func.func @transform_2(%arg0: i32) -> (i32, i32) {
    %c0_i32 = arith.constant 0 : i32
    %c0_i32_0 = arith.constant 0 : i32
    return %arg0, %c0_i32 : i32, i32
  }
  func.func @transform_3(%arg0: i32) -> (i32, i32) {
    %c0_i32 = arith.constant 0 : i32
    %c0_i32_0 = arith.constant 0 : i32
    return %arg0, %c0_i32 : i32, i32
  }
  func.func @transform_4(%arg0: i32) -> (i32, i32) {
    %c0_i32 = arith.constant 0 : i32
    %c0_i32_0 = arith.constant 0 : i32
    %c0_i32_1 = arith.constant 0 : i32
    return %c0_i32, %c0_i32_0 : i32, i32
  }
  func.func @transform_5(%arg0: i32) -> (i32, i32, i32) {
    %c0_i32 = arith.constant 0 : i32
    %c0_i32_0 = arith.constant 0 : i32
    %c0_i32_1 = arith.constant 0 : i32
    return %arg0, %c0_i32, %c0_i32_0 : i32, i32, i32
  }
  func.func @transform_6(%arg0: i32) -> (i32, i32) {
    %c0_i32 = arith.constant 0 : i32
    %c0_i32_0 = arith.constant 0 : i32
    %c0_i32_1 = arith.constant 0 : i32
    return %c0_i32, %c0_i32_0 : i32, i32
  }
  func.func @transform_7(%arg0: i32) -> (i32, i32) {
    %c0_i32 = arith.constant 0 : i32
    %c0_i32_0 = arith.constant 0 : i32
    %c0_i32_1 = arith.constant 0 : i32
    return %c0_i32, %c0_i32_0 : i32, i32
  }
  func.func @transform_8(%arg0: i32) -> (i32, i32) {
    %c0_i32 = arith.constant 0 : i32
    %c0_i32_0 = arith.constant 0 : i32
    %c0_i32_1 = arith.constant 0 : i32
    return %c0_i32, %c0_i32_0 : i32, i32
  }
}

</mosaic_0001>

<sc_bundles>
// kernel: kernel.11.cloned.1.call-start
scs
__scs_entry_jumppad:
0x0: {  	(pc) =	sbr.rel $0x88, $3  }
0x1: {  	(tag) =	ssettag $0x0;
	lr =	simm.s32 $0x1  }
0x2: {  	[smem:$0x3F96] =	sst lr;
	_ =	strace $0xD0000000  }
0x3: {  	_ = 	snop  }
0x4: {  	_ = 	snop  }
0x5: {  	_ = 	snop  }
0x6: {  	_ = 	snop  }
0x7: {  	_ = 	snop  }
__scs_overlays_trampoline_lowered:
0x8: {  	[smem:$0x3FA5] =	sst s0  }
0x9: {  	[smem:$0x3FA6] =	sst s1  }
0xa: {  	[smem:$0x3FA7] =	sst s2  }
0xb: {  	[smem:$0x3FA8] =	sst s3  }
0xc: {  	[smem:$0x3FA9] =	sst s4  }
0xd: {  	[smem:$0x3FAA] =	sst s5  }
0xe: {  	[smem:$0x3FAB] =	sst s6  }
0xf: {  	[smem:$0x3FAC] =	sst s7  }
0x10: {  	[smem:$0x3FAD] =	sst s8  }
0x11: {  	[smem:$0x3FAE] =	sst s9;
	s0 =	simm.s32 @!p0 $0x0  }
0x12: {  	s1 =	sld [smem:$0x3F94];
	s0 =	simm.s32 @p0 $0x1  }
0x13: {  	[smem:$0x3FAF] =	sst s0;
	s0 =	simm.s32 @!p1 $0x0  }
0x14: {  	s2 =	sld [smem:$0x3F93];
	s0 =	simm.s32 @p1 $0x1  }
0x15: {  	[smem:$0x3FB0] =	sst s0;
	s0 =	simm.s32 @!p2 $0x0  }
0x16: {  	s3 =	sld [smem:$0x3FDB];
	s0 =	simm.s32 @p2 $0x1  }
0x17: {  	s4 =	simm.s32 $0x1BF5;
	[smem:$0x3FB2] =	sst s0  }
0x18: {  	s0 =	sld [smem:$0x3F95];
	_ =	swait.ge [sflag:s4], $0x0  }
0x19: {  	s7 =	sld [smem:$0x3F96]  }
0x1a: {  	s8 =	sadd.s32 $0xFFFFE003, lr  }
0x1b: {  	s9 =	sadd.s32 $0xFFFFFEF7, lr;
	s5 =	simm.s32 $0xFFFFFFFF;
	p2 =	slt.u32 s8, $0xFFFFF086  }
0x1c: {  	p1 =	slt.u32 s9, $0xF7A;
	s5 =	simm.s32 @!p2 $0x0  }
0x1d: {  	s5 =	simm.s32 @p1 $0x1;
	p0 =	seq.s32 s7, s2  }
0x1e: {  	s7 =	smul.u32 @!p0 $0xF7A, s2;
	p2 =	seq.s32 @!p0 s5, $0x0  }
0x1f: {  	s9 =	smul.u32 $0xF7A, s1;
	s8 =	simm.s32 @!p0 $0x1BF5;
	p2 =	por !p2, p0  }
0x20: {  	[sflag:s8] =	ssyncset.s32 @!p0 $0xFFFFF086;
	s6 =	sadd.s32 @!p0 s3, s7;
	s7 =	simm.s32 @!p0 $0x108  }
0x21: {  	s3 =	sadd.s32 s3, s9;
	s6 =	sadd.s32 @!p0 $0x88, s6;
	s7 =	simm.s32 @p2 $0x1082  }
0x22: {  	[simem:s7], [sflag:s8] =	dma.local @!p0 [hbm:s6], $0xF7A  }
0x23: {  	s9 =	sor.u32 $0xD0000000, s2;
	s6 =	simm.s32 $0x108;
	_ =	swait.ge @!p0 [sflag:s8], $0x0  }
0x24: {  	s3 =	sadd.s32 $0x88, s3;
	s6 =	simm.s32 @!p1 $0x1082;
	[sflag:s4] =	ssyncset.s32 $0xFFFFF086  }
0x25: {  	[simem:s6], [sflag:s4] =	dma.local [hbm:s3], $0xF7A  }
0x26: {  	[smem:$0x3F96] =	sst s1;
	(tag) =	ssettag s2;
	_ =	strace s9  }
0x27: {  	s1 =	sld [smem:$0x3FA6]  }
0x28: {  	s2 =	sld [smem:$0x3FA7]  }
0x29: {  	s4 =	sld [smem:$0x3FA9]  }
0x2a: {  	p0 =	seq.s32 s5, $0x0;
	s5 =	sld [smem:$0x3FAA]  }
0x2b: {  	s6 =	sld [smem:$0x3FAB]  }
0x2c: {  	s7 =	sld [smem:$0x3FAC]  }
0x2d: {  	s3 =	simm.s32 $0x108;
	s8 =	sld [smem:$0x3FAD]  }
0x2e: {  	s3 =	simm.s32 @!p0 $0x1082;
	s9 =	sld [smem:$0x3FAE]  }
0x2f: {  	lr =	sadd.s32 s0, s3;
	s0 =	sld [smem:$0x3FA5]  }
0x30: {  	s3 =	sld [smem:$0x3FA8]  }
0x31: {  	[smem:$0x3FB1] =	sst s10  }
0x32: {  	s10 =	sld [smem:$0x3FAF];
	_ =	sdelay $0x3  }
0x33: {  	p0 =	seq.s32 s10, $0x1;
	s10 =	sld [smem:$0x3FB1];
	_ =	sdelay $0x3  }
0x34: {  	[smem:$0x3FB1] =	sst s10  }
0x35: {  	s10 =	sld [smem:$0x3FB0];
	_ =	sdelay $0x3  }
0x36: {  	p1 =	seq.s32 s10, $0x1;
	s10 =	sld [smem:$0x3FB1];
	_ =	sdelay $0x3  }
0x37: {  	[smem:$0x3FB1] =	sst s10  }
0x38: {  	s10 =	sld [smem:$0x3FB2]  }
0x39: {  	_ = 	snop;
	(pc) =	sbr.ind lr, $3  }
0x3a: {  	_ = 	snop  }
0x3b: {  	_ = 	snop  }
0x3c: {  	p2 =	seq.s32 s10, $0x1;
	s10 =	sld [smem:$0x3FB1]  }
0x3d: {  	_ =	shalt  }
0x3e: {  	_ =	shalt  }
0x3f: {  	_ =	shalt  }
0x40: {  	_ =	shalt  }
0x41: {  	_ =	shalt  }
0x42: {  	_ =	shalt  }
0x43: {  	_ =	shalt  }
0x44: {  	_ =	shalt  }
0x45: {  	_ =	shalt  }
0x46: {  	_ =	shalt  }
0x47: {  	_ =	shalt  }
0x48: {  	_ =	shalt  }
0x49: {  	_ =	shalt  }
0x4a: {  	_ =	shalt  }
0x4b: {  	_ =	shalt  }
0x4c: {  	_ =	shalt  }
0x4d: {  	_ =	shalt  }
0x4e: {  	_ =	shalt  }
0x4f: {  	_ =	shalt  }
0x50: {  	_ =	shalt  }
0x51: {  	_ =	shalt  }
0x52: {  	_ =	shalt  }
0x53: {  	_ =	shalt  }
0x54: {  	_ =	shalt  }
0x55: {  	_ =	shalt  }
0x56: {  	_ =	shalt  }
0x57: {  	_ =	shalt  }
0x58: {  	_ =	shalt  }
0x59: {  	_ =	shalt  }
0x5a: {  	_ =	shalt  }
0x5b: {  	_ =	shalt  }
0x5c: {  	_ =	shalt  }
0x5d: {  	_ =	shalt  }
0x5e: {  	_ =	shalt  }
0x5f: {  	_ =	shalt  }
0x60: {  	_ =	shalt  }
0x61: {  	_ =	shalt  }
0x62: {  	_ =	shalt  }
0x63: {  	_ =	shalt  }
0x64: {  	_ =	shalt  }
0x65: {  	_ =	shalt  }
0x66: {  	_ =	shalt  }
0x67: {  	_ =	shalt  }
0x68: {  	_ =	shalt  }
0x69: {  	_ =	shalt  }
0x6a: {  	_ =	shalt  }
0x6b: {  	_ =	shalt  }
0x6c: {  	_ =	shalt  }
0x6d: {  	_ =	shalt  }
0x6e: {  	_ =	shalt  }
0x6f: {  	_ =	shalt  }
0x70: {  	_ =	shalt  }
0x71: {  	_ =	shalt  }
0x72: {  	_ =	shalt  }
0x73: {  	_ =	shalt  }
0x74: {  	_ =	shalt  }
0x75: {  	_ =	shalt  }
0x76: {  	_ =	shalt  }
0x77: {  	_ =	shalt  }
0x78: {  	_ =	shalt  }
0x79: {  	_ =	shalt  }
0x7a: {  	_ =	shalt  }
0x7b: {  	_ =	shalt  }
0x7c: {  	_ =	shalt  }
0x7d: {  	_ =	shalt  }
0x7e: {  	_ =	shalt  }
0x7f: {  	_ =	shalt  }
0x80: {  	_ =	shalt  }
0x81: {  	_ =	shalt  }
0x82: {  	_ =	shalt  }
0x83: {  	_ =	shalt  }
0x84: {  	_ =	shalt  }
0x85: {  	_ =	shalt  }
0x86: {  	_ =	shalt  }
0x87: {  	_ =	shalt  }
.Lfunc_end0:
.L_simem_size_0:
called_computation_lowered:
.L_overlay_start_0:
0x88: {  	s2 =	sld [smem:$0x3FD9]  }
0x89: {  	s3 =	sld [smem:$0x3FFE];
	_ =	sdelay $0x1  }
0x8a: {  	s1 =	srdreg.scid  }
0x8b: {  	s0 =	sand.u32 $0x1, s1  }
0x8c: {  	s16 =	sshll.u32 s0, $0xA;
	s2 =	sadd.s32 s3, s2  }
0x8d: {  	s2 =	sadd.s32 s2, s16  }
0x8e: {  	[smem:$0x3FBD] =	sst s2  }
0x8f: {  	_ = 	snop  }
0x90: {  	(tm) =	ssettm $0x1  }
0x91: {  	s17 =	sld [smem:$0x3FFB];
	_ =	sdelay $0x3  }
0x92: {  	_ =	strace s17  }
0x93: {  	s2 =	sld [smem:$0x3FFC];
	_ =	sdelay $0x3  }
0x94: {  	_ =	strace s2  }
0x95: {  	s2 =	sld [smem:$0x3FFD];
	_ =	sdelay $0x3  }
0x96: {  	_ =	strace s2  }
0x97: {  	_ =	strace $0x8FFFFFFF  }
0x98: {  	s18 =	sld [smem:$0x3FDB];
	_ =	sdelay $0x1  }
0x99: {  	s19 =	simm.s32 $_scs_section_size  }
0x9a: {  	s4 =	simm.s32 $_size__tile_overlayer_lowered;
	s5 =	simm.s32 $_tile_overlayer_lowered  }
0x9b: {  	s22 =	simm.s32 $0x1BFF;
	s21 =	sshll.u32 s5, $0x1;
	s2 =	sadd.s32 s19, s18  }
0x9c: {  	s6 =	simm.s32 $0x0;
	s20 =	sshll.u32 s4, $0x1;
	s4 =	sadd.s32 s21, s2  }
0x9d: {  	[timem:s6], [sflag:s22] =	dma.local [hbm:s4], s20  }
0x9e: {  	_ =	swait.ge [sflag:s22], s20  }
0x9f: {  	s3 =	ssub.s32 $0x0, s20;
	[sflag:s22] =	ssyncset.done $0x0  }
0xa0: {  	[sflag:s22] =	ssyncadd.s32 s3;
	_ =	sdelay $0x1  }
0xa1: {  	s23 =	simm.s32 $0x1B8B  }
0xa2: {  	_ =	swait.ge [sflag:s23], $0x1  }
0xa3: {  	[sflag:s23] =	ssyncset.done $0x0  }
0xa4: {  	s25 =	simm.s32 $0x1B8E;
	s24 =	sld [smem:$0x3FFE];
	[sflag:s23] =	ssyncadd.s32 $0xFFFFFFFF  }
0xa5: {  	s26 =	simm.s32 $execute0_lowered;
	[smem:$0x3FD2] =	sst s25  }
0xa6: {  	s4 =	sshll.u32 s26, $0x1;
	_ =	strace $0x80000046;
	[dreg:$0x1] =	wrdreg $0xFFFFFFFF  }
0xa7: {  	s28 =	simm.s32 $_size_execute0_lowered;
	s2 =	sadd.s32 s2, s4;
	[dreg:$0x0] =	wrdreg $0x0  }
0xa8: {  	s4 =	sshll.u32 s28, $0x1;
	[dreg:$0x2] =	wrdreg s2  }
0xa9: {  	[dreg:$0x3] =	wrdreg s4  }
0xaa: {  	[dreg:$0x4] =	wrdreg $0xC0  }
0xab: {  	_ =	task [dreg:s6], $0x5FFFF  }
0xac: {  	[dreg:$0x1] =	wrdreg $0xFFFFFFFF  }
0xad: {  	[dreg:$0x0] =	wrdreg $0x60  }
0xae: {  	[dreg:$0x2] =	wrdreg s24  }
0xaf: {  	[dreg:$0x3] =	wrdreg $0x54000  }
0xb0: {  	[dreg:$0x4] =	wrdreg $0x9  }
0xb1: {  	_ =	task.clear_ibuf [dreg:s6], $0x5FFFF;
	_ =	strace $0x90000046  }
0xb2: {  	s29 =	simm.s32 $0x9;
	_ =	strace $0x80000048  }
0xb3: {  	_ =	swait.ge [sflag:s29], $0x1  }
0xb4: {  	[sflag:s29] =	ssyncadd.s32 $0xFFFFFFFF  }
0xb5: {  	_ =	strace $0x90000048  }
0xb6: {  	_ =	sfence  }
0xb7: {  	s30 =	sld [smem:$0x0];
	_ =	sdelay $0x2  }
0xb8: {  	s31 =	sshll.u32 s1, $0xD;
	s1 =	sshrl.u32 s1, $0x2  }
0xb9: {  	s3 =	sand.u32 $0x4000, s31;
	s1 =	sadd.s32 s1, s30  }
0xba: {  	s0 =	sor.u32 s3, s0;
	s1 =	sshll.u32 s1, $0x11  }
0xbb: {  	s0 =	sor.u32 s1, s0  }
0xbc: {  	s0 =	sadd.s32 $0x8F2B, s0  }
0xbd: {  	[sflag:s0] =	ssyncadd.remote.s32 $0x1  }
0xbe: {  	_ =	sfence.sel $0xFFFF  }
0xbf: {  	[dreg:$0x0] =	wrdreg $0xFFFFFFFF;
	(pc) =	sbr.abs _section_cstart, $3  }
0xc0: {  	[dreg:$0x1] =	wrdreg $0xFFFFFFFF  }
0xc1: {  	_ =	task.clear_ibuf [dreg:s6], $0x2FFFF;
	_ =	strace $0x9FFFFFFF  }
0xc2: {  	(tm) =	ssettm $0x7FFFFFFF  }
0xc3: {  	_ =	shalt  }
tec
execute0_lowered:
.L_overlay_start_1:
0x0: {  	(tag) =	ssettag $0x1  }
0x1: {  	s5 =	rddreg [dreg:$0x0]  }
0x2: {  	s0 =	srdreg.scid;
	s2 =	rddreg [dreg:$0x1];
	s3 =	simm.s32 $0x0  }
0x3: {  	s12 =	simm.s32 $0x1400;
	s4 =	sand.u32 $0x1, s0;
	s0 =	stileid.u32  }
0x4: {  	s13 =	simm.s32 $0x0;
	[smem:$0x7FF] =	sst s3;
	s7 =	smul.u32 $0x14000, s0  }
0x5: {  	s1 =	sshll.u32 s4, $0x4;
	s8 =	smul.u32 $0x140000, s4;
	s4 =	ssub.s32 $0x2, s4  }
0x6: {  	s29 =	smul.u32 $0x50000, s0;
	s31 =	sshll.u32 s0, $0x6;
	s1 =	sor.u32 s0, s1  }
0x7: {  	s10 =	sshrl.u32 s4, $0x1;
	s6 =	smul.u32 $0x280, s1;
	s1 =	rddreg [dreg:$0x2]  }
0x8: {  	_ =	strace $0x80000047;
	s9 =	sshrl.u32 s7, $0x3;
	s7 =	sadd.s32 s7, s8  }
0x9: {  	s10 =	ssub.s32 s4, s10;
	s30 =	sshrl.u32 s29, $0x2;
	s9 =	sadd.s32 s9, s5  }
0xa: {  	s7 =	sshrl.u32 s7, $0x3;
	s11 =	sadd.s32 s30, s2;
	s8 =	smax.u32 s10, $0x1  }
0xb: {  	s10 =	simm.s32 $0x1;
	s6 =	sadd.s32 s6, s5;
	s7 =	sadd.s32 s7, s5  }
0xc: {  	s4 =	sadd.s32 $0xA000, s9;
	s5 =	sor.u32 $0x1C01, s31;
	s9 =	sshrl.u32 s11, $0x3  }
0xd: {  	v0 =	vimm.f32 $1.000000000e+00;
	s11 =	simm.s32 $0x80;
	s6 =	sadd.s32 $0x5000, s6;
	s7 =	sadd.s32 $0x32000, s7  }
.LBB2_1:
0xe: {  	[spmem:s9], [sflag:s5] =	dma.local [hbm:s4], $0x2800  }
0xf: {  	_ =	swait.ge [sflag:s10], $0x2800  }
0x10: {  	[sflag:s10] =	ssyncset.done $0x0  }
0x11: {  	[sflag:s10] =	ssyncadd.s32 $0xFFFFD800  }
0x12: {  	[tilespmem:s3], [sflag:$0x1] =	stream.linear.gather [hbm4b:s6+s3], $0x1400, $0x38;
	[tilespmem:$0x7C00] =	vst v63  }
0x13: {  	_ =	swait.ge [sflag:s10], $0x1400  }
0x14: {  	[sflag:s10] =	ssyncset.done $0x0  }
0x15: {  	s14 =	simm.s32 $0x200;
	s15 =	simm.s32 $0x0;
	[sflag:s10] =	ssyncadd.s32 $0xFFFFEC00  }
.LBB2_2:
0x16: {  	p0 =	sne.s32 s14, $0xFE00;
	[tilespmem:s15+$0x1400] =	vst v0;
	s15 =	smov.u32 s14;
	s14 =	sadd.s32 $0x200, s14  }
.Ltmp0:
0x17: {  	(pc) =	sbr.rel @p0 .LBB2_2-.Ltmp0, $2  }
0x18: {  	_ =	sdelay $0x2  }
0x19: {  	s15 =	sshra.s32 s15, $0x2  }
0x1a: {  	[tilespmem:s15+$0x1400] =	vst v0  }
0x1b: {  	s14 =	simm.s32 $0x0;
	[bflag:$0x0] =	sbarrier.arrive $0xFFFF  }
0x1c: {  	[spmem:s2] =	stream.indirect.scatter.add.f32 [tilespmem:s12], [sflag:$0x1], $0x10, s14, s11, $0xb8;
	[tilespmem:$0x7C00] =	vst v63  }
0x1d: {  	_ =	swait.ge [sflag:s10], $0x800  }
0x1e: {  	s14 =	simm.s32 $0x200;
	[sflag:s10] =	ssyncset.done $0x0  }
.LBB2_4:
0x1f: {  	s15 =	sshra.s32 s14, $0x2;
	[sflag:s10] =	ssyncadd.s32 $0xFFFFF800;
	p0 =	sne.s32 s14, $0x4E00  }
0x20: {  	[spmem:s2] =	stream.indirect.scatter.add.f32 [tilespmem:s12], [sflag:$0x1], $0x10, s15, s11, $0xb8;
	[tilespmem:$0x7C00] =	vst v63  }
.Ltmp1:
0x21: {  	_ = 	snop;
	(pc) =	sbr.rel @p0 .LBB2_4-.Ltmp1, $4  }
0x22: {  	_ = 	snop  }
0x23: {  	s14 =	sadd.s32 $0x200, s14  }
0x24: {  	_ =	swait.ge [sflag:s10], $0x800  }
0x25: {  	[sflag:s10] =	ssyncset.done $0x0  }
0x26: {  	s13 =	sadd.s32 $0x1, s13  }
0x27: {  	[sflag:s10] =	ssyncadd.s32 $0xFFFFF800;
	p0 =	sne.s32 s13, s8  }
.Ltmp2:
0x28: {  	[bflag:$0x0] =	sbarrier.arrive $0xFFFF;
	(pc) =	sbr.rel @p0 .LBB2_1-.Ltmp2, $4  }
0x29: {  	[hbm:s7], [sflag:s5] =	dma.local [spmem:s9], $0x2800  }
0x2a: {  	_ =	swait.ge [sflag:s10], $0x2800  }
0x2b: {  	[sflag:s10] =	ssyncset.done $0x0  }
0x2c: {  	[sflag:s10] =	ssyncadd.s32 $0xFFFFD800  }
0x2d: {  	_ =	sfence.sel $0x180000  }
0x2e: {  	[bflag:$0x0] =	sbarrier.arrive $0xFFFF  }
0x2f: {  	p0 =	sne.s32 s0, $0x0;
	_ =	strace $0x90000047  }
0x30: {  	s0 =	sadd.s32 @!p0 $0x100000, s1;
	[bflag:$0x2] =	sbarrier.arrive $0xFFFF  }
0x31: {  	[sflag:s0] =	ssyncadd.tile.s32 @!p0 $0x1;
	_ =	shalt  }
.Lfunc_end2:
_tile_overlayer_lowered:
.L_overlay_start_2:
0x32: {  	(tag) =	ssettag $0x2  }
0x33: {  	s0 =	rddreg [dreg:$0x0];
	s2 =	stileid.u32  }
0x34: {  	s1 =	rddreg [dreg:$0x1];
	p0 =	sne.s32 s2, $0x0  }
0x35: {  	s3 =	rddreg [dreg:$0x2];
	[bflag:$0x3] =	sbarrier.arrive $0xFFFF;
	s2 =	simm.s32 @!p0 $0x1C01  }
0x36: {  	[timem:s3], [sflag:s2] =	dma.local @!p0 [hbm:s0], s1  }
0x37: {  	s0 =	simm.s32 @!p0 $0x1  }
0x38: {  	_ =	swait.ge @!p0 [sflag:s0], s1  }
0x39: {  	s1 =	ssub.s32 @!p0 $0x0, s1;
	[sflag:s0] =	ssyncset.done @!p0 $0x0  }
0x3a: {  	[sflag:s0] =	ssyncadd.s32 @!p0 s1  }
0x3b: {  	[bflag:$0x3] =	sbarrier.arrive $0xFFFF  }
0x3c: {  	_ =	shalt  }

// kernel: kernel.14.cloned.1.call-start
scs
__scs_entry_jumppad:
0x0: {  	(pc) =	sbr.rel $0x88, $3  }
0x1: {  	(tag) =	ssettag $0x0;
	lr =	simm.s32 $0x1  }
0x2: {  	[smem:$0x3F96] =	sst lr;
	_ =	strace $0xD0000000  }
0x3: {  	_ = 	snop  }
0x4: {  	_ = 	snop  }
0x5: {  	_ = 	snop  }
0x6: {  	_ = 	snop  }
0x7: {  	_ = 	snop  }
__scs_overlays_trampoline_lowered:
0x8: {  	[smem:$0x3FA5] =	sst s0  }
0x9: {  	[smem:$0x3FA6] =	sst s1  }
0xa: {  	[smem:$0x3FA7] =	sst s2  }
0xb: {  	[smem:$0x3FA8] =	sst s3  }
0xc: {  	[smem:$0x3FA9] =	sst s4  }
0xd: {  	[smem:$0x3FAA] =	sst s5  }
0xe: {  	[smem:$0x3FAB] =	sst s6  }
0xf: {  	[smem:$0x3FAC] =	sst s7  }
0x10: {  	[smem:$0x3FAD] =	sst s8  }
0x11: {  	[smem:$0x3FAE] =	sst s9;
	s0 =	simm.s32 @!p0 $0x0  }
0x12: {  	s1 =	sld [smem:$0x3F94];
	s0 =	simm.s32 @p0 $0x1  }
0x13: {  	[smem:$0x3FAF] =	sst s0;
	s0 =	simm.s32 @!p1 $0x0  }
0x14: {  	s2 =	sld [smem:$0x3F93];
	s0 =	simm.s32 @p1 $0x1  }
0x15: {  	[smem:$0x3FB0] =	sst s0;
	s0 =	simm.s32 @!p2 $0x0  }
0x16: {  	s3 =	sld [smem:$0x3FDB];
	s0 =	simm.s32 @p2 $0x1  }
0x17: {  	s4 =	simm.s32 $0x1BF5;
	[smem:$0x3FB2] =	sst s0  }
0x18: {  	s0 =	sld [smem:$0x3F95];
	_ =	swait.ge [sflag:s4], $0x0  }
0x19: {  	s7 =	sld [smem:$0x3F96]  }
0x1a: {  	s8 =	sadd.s32 $0xFFFFE003, lr  }
0x1b: {  	s9 =	sadd.s32 $0xFFFFFEF7, lr;
	s5 =	simm.s32 $0xFFFFFFFF;
	p2 =	slt.u32 s8, $0xFFFFF086  }
0x1c: {  	p1 =	slt.u32 s9, $0xF7A;
	s5 =	simm.s32 @!p2 $0x0  }
0x1d: {  	s5 =	simm.s32 @p1 $0x1;
	p0 =	seq.s32 s7, s2  }
0x1e: {  	s7 =	smul.u32 @!p0 $0xF7A, s2;
	p2 =	seq.s32 @!p0 s5, $0x0  }
0x1f: {  	s9 =	smul.u32 $0xF7A, s1;
	s8 =	simm.s32 @!p0 $0x1BF5;
	p2 =	por !p2, p0  }
0x20: {  	[sflag:s8] =	ssyncset.s32 @!p0 $0xFFFFF086;
	s6 =	sadd.s32 @!p0 s3, s7;
	s7 =	simm.s32 @!p0 $0x108  }
0x21: {  	s3 =	sadd.s32 s3, s9;
	s6 =	sadd.s32 @!p0 $0x88, s6;
	s7 =	simm.s32 @p2 $0x1082  }
0x22: {  	[simem:s7], [sflag:s8] =	dma.local @!p0 [hbm:s6], $0xF7A  }
0x23: {  	s9 =	sor.u32 $0xD0000000, s2;
	s6 =	simm.s32 $0x108;
	_ =	swait.ge @!p0 [sflag:s8], $0x0  }
0x24: {  	s3 =	sadd.s32 $0x88, s3;
	s6 =	simm.s32 @!p1 $0x1082;
	[sflag:s4] =	ssyncset.s32 $0xFFFFF086  }
0x25: {  	[simem:s6], [sflag:s4] =	dma.local [hbm:s3], $0xF7A  }
0x26: {  	[smem:$0x3F96] =	sst s1;
	(tag) =	ssettag s2;
	_ =	strace s9  }
0x27: {  	s1 =	sld [smem:$0x3FA6]  }
0x28: {  	s2 =	sld [smem:$0x3FA7]  }
0x29: {  	s4 =	sld [smem:$0x3FA9]  }
0x2a: {  	p0 =	seq.s32 s5, $0x0;
	s5 =	sld [smem:$0x3FAA]  }
0x2b: {  	s6 =	sld [smem:$0x3FAB]  }
0x2c: {  	s7 =	sld [smem:$0x3FAC]  }
0x2d: {  	s3 =	simm.s32 $0x108;
	s8 =	sld [smem:$0x3FAD]  }
0x2e: {  	s3 =	simm.s32 @!p0 $0x1082;
	s9 =	sld [smem:$0x3FAE]  }
0x2f: {  	lr =	sadd.s32 s0, s3;
	s0 =	sld [smem:$0x3FA5]  }
0x30: {  	s3 =	sld [smem:$0x3FA8]  }
0x31: {  	[smem:$0x3FB1] =	sst s10  }
0x32: {  	s10 =	sld [smem:$0x3FAF];
	_ =	sdelay $0x3  }
0x33: {  	p0 =	seq.s32 s10, $0x1;
	s10 =	sld [smem:$0x3FB1];
	_ =	sdelay $0x3  }
0x34: {  	[smem:$0x3FB1] =	sst s10  }
0x35: {  	s10 =	sld [smem:$0x3FB0];
	_ =	sdelay $0x3  }
0x36: {  	p1 =	seq.s32 s10, $0x1;
	s10 =	sld [smem:$0x3FB1];
	_ =	sdelay $0x3  }
0x37: {  	[smem:$0x3FB1] =	sst s10  }
0x38: {  	s10 =	sld [smem:$0x3FB2]  }
0x39: {  	_ = 	snop;
	(pc) =	sbr.ind lr, $3  }
0x3a: {  	_ = 	snop  }
0x3b: {  	_ = 	snop  }
0x3c: {  	p2 =	seq.s32 s10, $0x1;
	s10 =	sld [smem:$0x3FB1]  }
0x3d: {  	_ =	shalt  }
0x3e: {  	_ =	shalt  }
0x3f: {  	_ =	shalt  }
0x40: {  	_ =	shalt  }
0x41: {  	_ =	shalt  }
0x42: {  	_ =	shalt  }
0x43: {  	_ =	shalt  }
0x44: {  	_ =	shalt  }
0x45: {  	_ =	shalt  }
0x46: {  	_ =	shalt  }
0x47: {  	_ =	shalt  }
0x48: {  	_ =	shalt  }
0x49: {  	_ =	shalt  }
0x4a: {  	_ =	shalt  }
0x4b: {  	_ =	shalt  }
0x4c: {  	_ =	shalt  }
0x4d: {  	_ =	shalt  }
0x4e: {  	_ =	shalt  }
0x4f: {  	_ =	shalt  }
0x50: {  	_ =	shalt  }
0x51: {  	_ =	shalt  }
0x52: {  	_ =	shalt  }
0x53: {  	_ =	shalt  }
0x54: {  	_ =	shalt  }
0x55: {  	_ =	shalt  }
0x56: {  	_ =	shalt  }
0x57: {  	_ =	shalt  }
0x58: {  	_ =	shalt  }
0x59: {  	_ =	shalt  }
0x5a: {  	_ =	shalt  }
0x5b: {  	_ =	shalt  }
0x5c: {  	_ =	shalt  }
0x5d: {  	_ =	shalt  }
0x5e: {  	_ =	shalt  }
0x5f: {  	_ =	shalt  }
0x60: {  	_ =	shalt  }
0x61: {  	_ =	shalt  }
0x62: {  	_ =	shalt  }
0x63: {  	_ =	shalt  }
0x64: {  	_ =	shalt  }
0x65: {  	_ =	shalt  }
0x66: {  	_ =	shalt  }
0x67: {  	_ =	shalt  }
0x68: {  	_ =	shalt  }
0x69: {  	_ =	shalt  }
0x6a: {  	_ =	shalt  }
0x6b: {  	_ =	shalt  }
0x6c: {  	_ =	shalt  }
0x6d: {  	_ =	shalt  }
0x6e: {  	_ =	shalt  }
0x6f: {  	_ =	shalt  }
0x70: {  	_ =	shalt  }
0x71: {  	_ =	shalt  }
0x72: {  	_ =	shalt  }
0x73: {  	_ =	shalt  }
0x74: {  	_ =	shalt  }
0x75: {  	_ =	shalt  }
0x76: {  	_ =	shalt  }
0x77: {  	_ =	shalt  }
0x78: {  	_ =	shalt  }
0x79: {  	_ =	shalt  }
0x7a: {  	_ =	shalt  }
0x7b: {  	_ =	shalt  }
0x7c: {  	_ =	shalt  }
0x7d: {  	_ =	shalt  }
0x7e: {  	_ =	shalt  }
0x7f: {  	_ =	shalt  }
0x80: {  	_ =	shalt  }
0x81: {  	_ =	shalt  }
0x82: {  	_ =	shalt  }
0x83: {  	_ =	shalt  }
0x84: {  	_ =	shalt  }
0x85: {  	_ =	shalt  }
0x86: {  	_ =	shalt  }
0x87: {  	_ =	shalt  }
.Lfunc_end0:
.L_simem_size_0:
called_computation.1_lowered:
.L_overlay_start_0:
0x88: {  	s2 =	sld [smem:$0x3FD9]  }
0x89: {  	s3 =	sld [smem:$0x3FFE];
	_ =	sdelay $0x1  }
0x8a: {  	s1 =	srdreg.scid  }
0x8b: {  	s0 =	sand.u32 $0x1, s1  }
0x8c: {  	s16 =	sshll.u32 s0, $0xA;
	s2 =	sadd.s32 s3, s2  }
0x8d: {  	s2 =	sadd.s32 s2, s16  }
0x8e: {  	[smem:$0x3FBD] =	sst s2  }
0x8f: {  	_ = 	snop  }
0x90: {  	(tm) =	ssettm $0x1  }
0x91: {  	s17 =	sld [smem:$0x3FFB];
	_ =	sdelay $0x3  }
0x92: {  	_ =	strace s17  }
0x93: {  	s2 =	sld [smem:$0x3FFC];
	_ =	sdelay $0x3  }
0x94: {  	_ =	strace s2  }
0x95: {  	s2 =	sld [smem:$0x3FFD];
	_ =	sdelay $0x3  }
0x96: {  	_ =	strace s2  }
0x97: {  	_ =	strace $0x8FFFFFFF  }
0x98: {  	s18 =	sld [smem:$0x3FDB];
	_ =	sdelay $0x1  }
0x99: {  	s19 =	simm.s32 $_scs_section_size  }
0x9a: {  	s4 =	simm.s32 $_size__tile_overlayer_lowered;
	s5 =	simm.s32 $_tile_overlayer_lowered  }
0x9b: {  	s22 =	simm.s32 $0x1BFF;
	s21 =	sshll.u32 s5, $0x1;
	s2 =	sadd.s32 s19, s18  }
0x9c: {  	s6 =	simm.s32 $0x0;
	s20 =	sshll.u32 s4, $0x1;
	s4 =	sadd.s32 s21, s2  }
0x9d: {  	[timem:s6], [sflag:s22] =	dma.local [hbm:s4], s20  }
0x9e: {  	_ =	swait.ge [sflag:s22], s20  }
0x9f: {  	s3 =	ssub.s32 $0x0, s20;
	[sflag:s22] =	ssyncset.done $0x0  }
0xa0: {  	[sflag:s22] =	ssyncadd.s32 s3;
	_ =	sdelay $0x1  }
0xa1: {  	s23 =	simm.s32 $0x1B8B  }
0xa2: {  	_ =	swait.ge [sflag:s23], $0x1  }
0xa3: {  	[sflag:s23] =	ssyncset.done $0x0  }
0xa4: {  	s25 =	simm.s32 $0x1B8E;
	s24 =	sld [smem:$0x3FFE];
	[sflag:s23] =	ssyncadd.s32 $0xFFFFFFFF  }
0xa5: {  	s26 =	simm.s32 $execute0_lowered;
	[smem:$0x3FD2] =	sst s25  }
0xa6: {  	s4 =	sshll.u32 s26, $0x1;
	_ =	strace $0x80000049;
	[dreg:$0x1] =	wrdreg $0xFFFFFFFF  }
0xa7: {  	s28 =	simm.s32 $_size_execute0_lowered;
	s2 =	sadd.s32 s2, s4;
	[dreg:$0x0] =	wrdreg $0x0  }
0xa8: {  	s4 =	sshll.u32 s28, $0x1;
	[dreg:$0x2] =	wrdreg s2  }
0xa9: {  	[dreg:$0x3] =	wrdreg s4  }
0xaa: {  	[dreg:$0x4] =	wrdreg $0xC0  }
0xab: {  	_ =	task [dreg:s6], $0x5FFFF  }
0xac: {  	[dreg:$0x1] =	wrdreg $0xFFFFFFFF  }
0xad: {  	[dreg:$0x0] =	wrdreg $0x60  }
0xae: {  	[dreg:$0x2] =	wrdreg s24  }
0xaf: {  	[dreg:$0x3] =	wrdreg $0x90000  }
0xb0: {  	[dreg:$0x4] =	wrdreg $0x9  }
0xb1: {  	_ =	task.clear_ibuf [dreg:s6], $0x5FFFF;
	_ =	strace $0x90000049  }
0xb2: {  	s29 =	simm.s32 $0x9;
	_ =	strace $0x8000004B  }
0xb3: {  	_ =	swait.ge [sflag:s29], $0x1  }
0xb4: {  	[sflag:s29] =	ssyncadd.s32 $0xFFFFFFFF  }
0xb5: {  	_ =	strace $0x9000004B  }
0xb6: {  	_ =	sfence  }
0xb7: {  	s30 =	sld [smem:$0x0];
	_ =	sdelay $0x2  }
0xb8: {  	s31 =	sshll.u32 s1, $0xD;
	s1 =	sshrl.u32 s1, $0x2  }
0xb9: {  	s3 =	sand.u32 $0x4000, s31;
	s1 =	sadd.s32 s1, s30  }
0xba: {  	s0 =	sor.u32 s3, s0;
	s1 =	sshll.u32 s1, $0x11  }
0xbb: {  	s0 =	sor.u32 s1, s0  }
0xbc: {  	s0 =	sadd.s32 $0x8F2B, s0  }
0xbd: {  	[sflag:s0] =	ssyncadd.remote.s32 $0x1  }
0xbe: {  	_ =	sfence.sel $0xFFFF  }
0xbf: {  	[dreg:$0x0] =	wrdreg $0xFFFFFFFF;
	(pc) =	sbr.abs _section_cstart, $3  }
0xc0: {  	[dreg:$0x1] =	wrdreg $0xFFFFFFFF  }
0xc1: {  	_ =	task.clear_ibuf [dreg:s6], $0x2FFFF;
	_ =	strace $0x9FFFFFFF  }
0xc2: {  	(tm) =	ssettm $0x7FFFFFFF  }
0xc3: {  	_ =	shalt  }
tec
execute0_lowered:
.L_overlay_start_1:
0x0: {  	(tag) =	ssettag $0x1  }
0x1: {  	s6 =	rddreg [dreg:$0x0]  }
0x2: {  	s2 =	rddreg [dreg:$0x1]  }
0x3: {  	s0 =	rddreg [dreg:$0x2];
	s1 =	stileid.u32;
	s3 =	simm.s32 $0x0  }
0x4: {  	s4 =	srdreg.scid;
	s15 =	simm.s32 $0x80;
	s16 =	simm.s32 $0x5000  }
0x5: {  	s17 =	simm.s32 $0x0;
	s7 =	smul.u32 $0x500, s1;
	[smem:$0x7FF] =	sst s3  }
0x6: {  	s8 =	smul.u32 $0x14000, s1;
	s10 =	sand.u32 $0x1, s4;
	s4 =	sadd.s32 $0x5A000, s6  }
0x7: {  	s5 =	sadd.s32 $0x32000, s6;
	s12 =	smul.u32 $0x50000, s1;
	s31 =	sshll.u32 s1, $0x6  }
0x8: {  	_ =	strace $0x8000004A;
	s9 =	smul.u32 $0x140000, s10;
	s29 =	ssub.s32 $0x2, s10  }
0x9: {  	p0 =	seq.s32 s10, $0x1;
	s11 =	sadd.s32 s7, s6;
	s28 =	sshrl.u32 s8, $0x3  }
0xa: {  	s13 =	sshrl.u32 s29, $0x1;
	s30 =	sshrl.u32 s12, $0x2;
	s8 =	sadd.s32 s8, s9  }
.Ltmp0:
0xb: {  	s7 =	sadd.s32 s28, s6;
	s13 =	ssub.s32 s29, s13;
	(pc) =	sbr.rel .LBB2_1-.Ltmp0, $4  }
0xc: {  	s12 =	sadd.s32 s30, s2;
	s9 =	sadd.s32 $0x5000, s11;
	s8 =	sshrl.u32 s8, $0x3  }
0xd: {  	s12 =	sshrl.u32 s12, $0x3;
	s14 =	sadd.s32 s8, s6;
	s6 =	sadd.s32 $0x82000, s7  }
0xe: {  	s7 =	sor.u32 $0x1C01, s31;
	s8 =	sadd.s32 $0xD2000, s11;
	s11 =	smax.u32 s13, $0x1  }
0xf: {  	s13 =	simm.s32 $0x1;
	s10 =	sadd.s32 $0xD7000, s14;
	s14 =	simm.s32 $0x2800  }
.LBB2_7:
0x10: {  	s18 =	sshra.s32 s18, $0x2;
	[sflag:s13] =	ssyncadd.s32 $0xFFFFC000  }
0x11: {  	[tilespmem:s16], [sflag:$0x1] =	stream.indirect.gather [hbm4b:s5+s15], $0x80, s18, s15, $0xb8;
	[tilespmem:$0x1D000] =	vst v63  }
0x12: {  	_ =	swait.ge [sflag:s13], $0x4000  }
0x13: {  	[sflag:s13] =	ssyncset.done $0x0  }
0x14: {  	s18 =	sadd.s32 $0x2800, s18;
	[sflag:s13] =	ssyncadd.s32 $0xFFFFC000  }
0x15: {  	[spmem:s2] =	stream.indirect.scatter.add.f32 [tilespmem:s16], [sflag:$0x1], $0x80, s18, s15, $0xb8;
	[tilespmem:$0x1D000] =	vst v63  }
0x16: {  	_ =	swait.ge [sflag:s13], $0x4000  }
0x17: {  	[sflag:s13] =	ssyncset.done $0x0  }
0x18: {  	[sflag:s13] =	ssyncadd.s32 $0xFFFFC000  }
.LBB2_8:
0x19: {  	s17 =	sadd.s32 $0x1, s17  }
0x1a: {  	p1 =	sne.s32 s17, s11  }
.Ltmp1:
0x1b: {  	[bflag:$0x0] =	sbarrier.arrive $0xFFFF;
	(pc) =	sbr.rel @!p1 .LBB2_9-.Ltmp1, $4  }
0x1c: {  	[hbm:s10], [sflag:s7] =	dma.local [spmem:s12], $0x2800  }
0x1d: {  	_ =	swait.ge [sflag:s13], $0x2800  }
0x1e: {  	[sflag:s13] =	ssyncset.done $0x0  }
0x1f: {  	[sflag:s13] =	ssyncadd.s32 $0xFFFFD800  }
.LBB2_1:
0x20: {  	[spmem:s12], [sflag:s7] =	dma.local [hbm:s6], $0x2800  }
0x21: {  	_ =	swait.ge [sflag:s13], $0x2800  }
0x22: {  	[sflag:s13] =	ssyncset.done $0x0  }
0x23: {  	[sflag:s13] =	ssyncadd.s32 $0xFFFFD800  }
0x24: {  	[tilespmem:s3], [sflag:$0x1] =	stream.linear.gather [hbm4b:s8+s3], $0x2800, $0x38;
	[tilespmem:$0x1D000] =	vst v63  }
0x25: {  	_ =	swait.ge [sflag:s13], $0x2800  }
0x26: {  	[sflag:s13] =	ssyncset.done $0x0  }
0x27: {  	[sflag:s13] =	ssyncadd.s32 $0xFFFFD800  }
0x28: {  	[tilespmem:s14], [sflag:$0x1] =	stream.linear.gather [hbm4b:s9+s3], $0x2800, $0x38;
	[tilespmem:$0x1D000] =	vst v63  }
.Ltmp2:
0x29: {  	_ =	swait.ge [sflag:s13], $0x2800;
	(pc) =	sbr.rel @!p0 .LBB2_2-.Ltmp2, $4  }
0x2a: {  	[sflag:s13] =	ssyncset.done $0x0  }
0x2b: {  	[sflag:s13] =	ssyncadd.s32 $0xFFFFD800  }
0x2c: {  	[bflag:$0x0] =	sbarrier.arrive $0xFFFF  }
0x2d: {  	s18 =	simm.s32 $0x0  }
0x2e: {  	[tilespmem:s16], [sflag:$0x1] =	stream.indirect.gather [hbm4b:s5+s15], $0x80, s18, s15, $0xb8;
	[tilespmem:$0x1D000] =	vst v63  }
0x2f: {  	_ =	swait.ge [sflag:s13], $0x4000  }
0x30: {  	[sflag:s13] =	ssyncset.done $0x0  }
0x31: {  	s31 =	simm.s32 $0x2800;
	[sflag:s13] =	ssyncadd.s32 $0xFFFFC000  }
0x32: {  	[spmem:s2] =	stream.indirect.scatter.add.f32 [tilespmem:s16], [sflag:$0x1], $0x80, s31, s15, $0xb8;
	[tilespmem:$0x1D000] =	vst v63  }
0x33: {  	_ =	swait.ge [sflag:s13], $0x4000  }
0x34: {  	s18 =	simm.s32 $0x200;
	s19 =	simm.s32 $0x400;
	[sflag:s13] =	ssyncset.done $0x0  }
.LBB2_6:
0x35: {  	s20 =	sshra.s32 s18, $0x2  }
0x36: {  	[sflag:s13] =	ssyncadd.s32 $0xFFFFC000;
	s18 =	smov.u32 s19;
	s21 =	sadd.s32 $0x200, s19  }
0x37: {  	[tilespmem:s16], [sflag:$0x1] =	stream.indirect.gather [hbm4b:s5+s15], $0x80, s20, s15, $0xb8;
	[tilespmem:$0x1D000] =	vst v63  }
0x38: {  	p1 =	sne.s32 s19, $0x9E00;
	_ =	swait.ge [sflag:s13], $0x4000  }
.Ltmp3:
0x39: {  	[sflag:s13] =	ssyncset.done $0x0;
	(pc) =	sbr.rel @p1 .LBB2_6-.Ltmp3, $4  }
0x3a: {  	s19 =	sadd.s32 $0x2800, s20;
	[sflag:s13] =	ssyncadd.s32 $0xFFFFC000  }
0x3b: {  	[spmem:s2] =	stream.indirect.scatter.add.f32 [tilespmem:s16], [sflag:$0x1], $0x80, s19, s15, $0xb8;
	[tilespmem:$0x1D000] =	vst v63  }
0x3c: {  	_ =	swait.ge [sflag:s13], $0x4000  }
0x3d: {  	s19 =	smov.u32 s21;
	[sflag:s13] =	ssyncset.done $0x0  }
.Ltmp4:
0x3e: {  	_ = 	snop;
	(pc) =	sbr.rel .LBB2_7-.Ltmp4, $1  }
0x3f: {  	_ =	sdelay $0x3  }
.LBB2_2:
0x40: {  	[tilespmem:s16], [sflag:$0x1] =	stream.indirect.gather [hbm4b:s4+s15], $0x80, s18, s15, $0xb8;
	[tilespmem:$0x1D000] =	vst v63  }
0x41: {  	_ =	swait.ge [sflag:s13], $0x4000  }
0x42: {  	[sflag:s13] =	ssyncset.done $0x0  }
0x43: {  	s31 =	simm.s32 $0x2800;
	[sflag:s13] =	ssyncadd.s32 $0xFFFFC000  }
0x44: {  	[spmem:s2] =	stream.indirect.scatter.add.f32 [tilespmem:s16], [sflag:$0x1], $0x80, s31, s15, $0xb8;
	[tilespmem:$0x1D000] =	vst v63  }
0x45: {  	_ =	swait.ge [sflag:s13], $0x4000  }
0x46: {  	s18 =	simm.s32 $0x200;
	s19 =	simm.s32 $0x400;
	[sflag:s13] =	ssyncset.done $0x0  }
.LBB2_3:
0x47: {  	s20 =	sshra.s32 s18, $0x2  }
0x48: {  	[sflag:s13] =	ssyncadd.s32 $0xFFFFC000;
	s18 =	smov.u32 s19;
	s21 =	sadd.s32 $0x200, s19  }
0x49: {  	[tilespmem:s16], [sflag:$0x1] =	stream.indirect.gather [hbm4b:s4+s15], $0x80, s20, s15, $0xb8;
	[tilespmem:$0x1D000] =	vst v63  }
0x4a: {  	p1 =	seq.s32 s19, $0x9E00;
	_ =	swait.ge [sflag:s13], $0x4000  }
.Ltmp5:
0x4b: {  	[sflag:s13] =	ssyncset.done $0x0;
	(pc) =	sbr.rel @!p1 .LBB2_3-.Ltmp5, $4  }
0x4c: {  	s19 =	sadd.s32 $0x2800, s20;
	[sflag:s13] =	ssyncadd.s32 $0xFFFFC000  }
0x4d: {  	[spmem:s2] =	stream.indirect.scatter.add.f32 [tilespmem:s16], [sflag:$0x1], $0x80, s19, s15, $0xb8;
	[tilespmem:$0x1D000] =	vst v63  }
0x4e: {  	_ =	swait.ge [sflag:s13], $0x4000  }
0x4f: {  	s19 =	smov.u32 s21;
	[sflag:s13] =	ssyncset.done $0x0  }
0x50: {  	s18 =	sshra.s32 s18, $0x2;
	[sflag:s13] =	ssyncadd.s32 $0xFFFFC000  }
0x51: {  	[tilespmem:s16], [sflag:$0x1] =	stream.indirect.gather [hbm4b:s4+s15], $0x80, s18, s15, $0xb8;
	[tilespmem:$0x1D000] =	vst v63  }
0x52: {  	_ =	swait.ge [sflag:s13], $0x4000  }
0x53: {  	[sflag:s13] =	ssyncset.done $0x0  }
.Ltmp6:
0x54: {  	s18 =	sadd.s32 $0x2800, s18;
	[sflag:s13] =	ssyncadd.s32 $0xFFFFC000;
	(pc) =	sbr.rel .LBB2_8-.Ltmp6, $4  }
0x55: {  	[spmem:s2] =	stream.indirect.scatter.add.f32 [tilespmem:s16], [sflag:$0x1], $0x80, s18, s15, $0xb8;
	[tilespmem:$0x1D000] =	vst v63  }
0x56: {  	_ =	swait.ge [sflag:s13], $0x4000  }
0x57: {  	[sflag:s13] =	ssyncset.done $0x0  }
0x58: {  	[sflag:s13] =	ssyncadd.s32 $0xFFFFC000  }
.LBB2_9:
0x59: {  	_ =	sfence.sel $0x180000  }
0x5a: {  	[bflag:$0x0] =	sbarrier.arrive $0xFFFF  }
0x5b: {  	p0 =	sne.s32 s1, $0x0;
	_ =	strace $0x9000004A  }
0x5c: {  	s0 =	sadd.s32 @!p0 $0x100000, s0;
	[bflag:$0x2] =	sbarrier.arrive $0xFFFF  }
0x5d: {  	[sflag:s0] =	ssyncadd.tile.s32 @!p0 $0x1;
	_ =	shalt  }
.Lfunc_end2:
_tile_overlayer_lowered:
.L_overlay_start_2:
0x5e: {  	(tag) =	ssettag $0x2  }
0x5f: {  	s0 =	rddreg [dreg:$0x0];
	s2 =	stileid.u32  }
0x60: {  	s1 =	rddreg [dreg:$0x1];
	p0 =	sne.s32 s2, $0x0  }
0x61: {  	s3 =	rddreg [dreg:$0x2];
	[bflag:$0x3] =	sbarrier.arrive $0xFFFF;
	s2 =	simm.s32 @!p0 $0x1C01  }
0x62: {  	[timem:s3], [sflag:s2] =	dma.local @!p0 [hbm:s0], s1  }
0x63: {  	s0 =	simm.s32 @!p0 $0x1  }
0x64: {  	_ =	swait.ge @!p0 [sflag:s0], s1  }
0x65: {  	s1 =	ssub.s32 @!p0 $0x0, s1;
	[sflag:s0] =	ssyncset.done @!p0 $0x0  }
0x66: {  	[sflag:s0] =	ssyncadd.s32 @!p0 s1  }
0x67: {  	[bflag:$0x3] =	sbarrier.arrive $0xFFFF  }
0x68: {  	_ =	shalt  }

// kernel: kernel.17.cloned.1.call-start
scs
__scs_entry_jumppad:
0x0: {  	(pc) =	sbr.rel $0x88, $3  }
0x1: {  	(tag) =	ssettag $0x0;
	lr =	simm.s32 $0x1  }
0x2: {  	[smem:$0x3F96] =	sst lr;
	_ =	strace $0xD0000000  }
0x3: {  	_ = 	snop  }
0x4: {  	_ = 	snop  }
0x5: {  	_ = 	snop  }
0x6: {  	_ = 	snop  }
0x7: {  	_ = 	snop  }
__scs_overlays_trampoline_lowered:
0x8: {  	[smem:$0x3FA5] =	sst s0  }
0x9: {  	[smem:$0x3FA6] =	sst s1  }
0xa: {  	[smem:$0x3FA7] =	sst s2  }
0xb: {  	[smem:$0x3FA8] =	sst s3  }
0xc: {  	[smem:$0x3FA9] =	sst s4  }
0xd: {  	[smem:$0x3FAA] =	sst s5  }
0xe: {  	[smem:$0x3FAB] =	sst s6  }
0xf: {  	[smem:$0x3FAC] =	sst s7  }
0x10: {  	[smem:$0x3FAD] =	sst s8  }
0x11: {  	[smem:$0x3FAE] =	sst s9;
	s0 =	simm.s32 @!p0 $0x0  }
0x12: {  	s1 =	sld [smem:$0x3F94];
	s0 =	simm.s32 @p0 $0x1  }
0x13: {  	[smem:$0x3FAF] =	sst s0;
	s0 =	simm.s32 @!p1 $0x0  }
0x14: {  	s2 =	sld [smem:$0x3F93];
	s0 =	simm.s32 @p1 $0x1  }
0x15: {  	[smem:$0x3FB0] =	sst s0;
	s0 =	simm.s32 @!p2 $0x0  }
0x16: {  	s3 =	sld [smem:$0x3FDB];
	s0 =	simm.s32 @p2 $0x1  }
0x17: {  	s4 =	simm.s32 $0x1BF5;
	[smem:$0x3FB2] =	sst s0  }
0x18: {  	s0 =	sld [smem:$0x3F95];
	_ =	swait.ge [sflag:s4], $0x0  }
0x19: {  	s7 =	sld [smem:$0x3F96]  }
0x1a: {  	s8 =	sadd.s32 $0xFFFFE003, lr  }
0x1b: {  	s9 =	sadd.s32 $0xFFFFFEF7, lr;
	s5 =	simm.s32 $0xFFFFFFFF;
	p2 =	slt.u32 s8, $0xFFFFF086  }
0x1c: {  	p1 =	slt.u32 s9, $0xF7A;
	s5 =	simm.s32 @!p2 $0x0  }
0x1d: {  	s5 =	simm.s32 @p1 $0x1;
	p0 =	seq.s32 s7, s2  }
0x1e: {  	s7 =	smul.u32 @!p0 $0xF7A, s2;
	p2 =	seq.s32 @!p0 s5, $0x0  }
0x1f: {  	s9 =	smul.u32 $0xF7A, s1;
	s8 =	simm.s32 @!p0 $0x1BF5;
	p2 =	por !p2, p0  }
0x20: {  	[sflag:s8] =	ssyncset.s32 @!p0 $0xFFFFF086;
	s6 =	sadd.s32 @!p0 s3, s7;
	s7 =	simm.s32 @!p0 $0x108  }
0x21: {  	s3 =	sadd.s32 s3, s9;
	s6 =	sadd.s32 @!p0 $0x88, s6;
	s7 =	simm.s32 @p2 $0x1082  }
0x22: {  	[simem:s7], [sflag:s8] =	dma.local @!p0 [hbm:s6], $0xF7A  }
0x23: {  	s9 =	sor.u32 $0xD0000000, s2;
	s6 =	simm.s32 $0x108;
	_ =	swait.ge @!p0 [sflag:s8], $0x0  }
0x24: {  	s3 =	sadd.s32 $0x88, s3;
	s6 =	simm.s32 @!p1 $0x1082;
	[sflag:s4] =	ssyncset.s32 $0xFFFFF086  }
0x25: {  	[simem:s6], [sflag:s4] =	dma.local [hbm:s3], $0xF7A  }
0x26: {  	[smem:$0x3F96] =	sst s1;
	(tag) =	ssettag s2;
	_ =	strace s9  }
0x27: {  	s1 =	sld [smem:$0x3FA6]  }
0x28: {  	s2 =	sld [smem:$0x3FA7]  }
0x29: {  	s4 =	sld [smem:$0x3FA9]  }
0x2a: {  	p0 =	seq.s32 s5, $0x0;
	s5 =	sld [smem:$0x3FAA]  }
0x2b: {  	s6 =	sld [smem:$0x3FAB]  }
0x2c: {  	s7 =	sld [smem:$0x3FAC]  }
0x2d: {  	s3 =	simm.s32 $0x108;
	s8 =	sld [smem:$0x3FAD]  }
0x2e: {  	s3 =	simm.s32 @!p0 $0x1082;
	s9 =	sld [smem:$0x3FAE]  }
0x2f: {  	lr =	sadd.s32 s0, s3;
	s0 =	sld [smem:$0x3FA5]  }
0x30: {  	s3 =	sld [smem:$0x3FA8]  }
0x31: {  	[smem:$0x3FB1] =	sst s10  }
0x32: {  	s10 =	sld [smem:$0x3FAF];
	_ =	sdelay $0x3  }
0x33: {  	p0 =	seq.s32 s10, $0x1;
	s10 =	sld [smem:$0x3FB1];
	_ =	sdelay $0x3  }
0x34: {  	[smem:$0x3FB1] =	sst s10  }
0x35: {  	s10 =	sld [smem:$0x3FB0];
	_ =	sdelay $0x3  }
0x36: {  	p1 =	seq.s32 s10, $0x1;
	s10 =	sld [smem:$0x3FB1];
	_ =	sdelay $0x3  }
0x37: {  	[smem:$0x3FB1] =	sst s10  }
0x38: {  	s10 =	sld [smem:$0x3FB2]  }
0x39: {  	_ = 	snop;
	(pc) =	sbr.ind lr, $3  }
0x3a: {  	_ = 	snop  }
0x3b: {  	_ = 	snop  }
0x3c: {  	p2 =	seq.s32 s10, $0x1;
	s10 =	sld [smem:$0x3FB1]  }
0x3d: {  	_ =	shalt  }
0x3e: {  	_ =	shalt  }
0x3f: {  	_ =	shalt  }
0x40: {  	_ =	shalt  }
0x41: {  	_ =	shalt  }
0x42: {  	_ =	shalt  }
0x43: {  	_ =	shalt  }
0x44: {  	_ =	shalt  }
0x45: {  	_ =	shalt  }
0x46: {  	_ =	shalt  }
0x47: {  	_ =	shalt  }
0x48: {  	_ =	shalt  }
0x49: {  	_ =	shalt  }
0x4a: {  	_ =	shalt  }
0x4b: {  	_ =	shalt  }
0x4c: {  	_ =	shalt  }
0x4d: {  	_ =	shalt  }
0x4e: {  	_ =	shalt  }
0x4f: {  	_ =	shalt  }
0x50: {  	_ =	shalt  }
0x51: {  	_ =	shalt  }
0x52: {  	_ =	shalt  }
0x53: {  	_ =	shalt  }
0x54: {  	_ =	shalt  }
0x55: {  	_ =	shalt  }
0x56: {  	_ =	shalt  }
0x57: {  	_ =	shalt  }
0x58: {  	_ =	shalt  }
0x59: {  	_ =	shalt  }
0x5a: {  	_ =	shalt  }
0x5b: {  	_ =	shalt  }
0x5c: {  	_ =	shalt  }
0x5d: {  	_ =	shalt  }
0x5e: {  	_ =	shalt  }
0x5f: {  	_ =	shalt  }
0x60: {  	_ =	shalt  }
0x61: {  	_ =	shalt  }
0x62: {  	_ =	shalt  }
0x63: {  	_ =	shalt  }
0x64: {  	_ =	shalt  }
0x65: {  	_ =	shalt  }
0x66: {  	_ =	shalt  }
0x67: {  	_ =	shalt  }
0x68: {  	_ =	shalt  }
0x69: {  	_ =	shalt  }
0x6a: {  	_ =	shalt  }
0x6b: {  	_ =	shalt  }
0x6c: {  	_ =	shalt  }
0x6d: {  	_ =	shalt  }
0x6e: {  	_ =	shalt  }
0x6f: {  	_ =	shalt  }
0x70: {  	_ =	shalt  }
0x71: {  	_ =	shalt  }
0x72: {  	_ =	shalt  }
0x73: {  	_ =	shalt  }
0x74: {  	_ =	shalt  }
0x75: {  	_ =	shalt  }
0x76: {  	_ =	shalt  }
0x77: {  	_ =	shalt  }
0x78: {  	_ =	shalt  }
0x79: {  	_ =	shalt  }
0x7a: {  	_ =	shalt  }
0x7b: {  	_ =	shalt  }
0x7c: {  	_ =	shalt  }
0x7d: {  	_ =	shalt  }
0x7e: {  	_ =	shalt  }
0x7f: {  	_ =	shalt  }
0x80: {  	_ =	shalt  }
0x81: {  	_ =	shalt  }
0x82: {  	_ =	shalt  }
0x83: {  	_ =	shalt  }
0x84: {  	_ =	shalt  }
0x85: {  	_ =	shalt  }
0x86: {  	_ =	shalt  }
0x87: {  	_ =	shalt  }
.Lfunc_end0:
.L_simem_size_0:
called_computation.2_lowered:
.L_overlay_start_0:
0x88: {  	s2 =	sld [smem:$0x3FD9]  }
0x89: {  	s3 =	sld [smem:$0x3FFE];
	_ =	sdelay $0x1  }
0x8a: {  	s1 =	srdreg.scid  }
0x8b: {  	s0 =	sand.u32 $0x1, s1  }
0x8c: {  	s16 =	sshll.u32 s0, $0xA;
	s2 =	sadd.s32 s3, s2  }
0x8d: {  	s2 =	sadd.s32 s2, s16  }
0x8e: {  	[smem:$0x3FBD] =	sst s2  }
0x8f: {  	_ = 	snop  }
0x90: {  	(tm) =	ssettm $0x1  }
0x91: {  	s17 =	sld [smem:$0x3FFB];
	_ =	sdelay $0x3  }
0x92: {  	_ =	strace s17  }
0x93: {  	s2 =	sld [smem:$0x3FFC];
	_ =	sdelay $0x3  }
0x94: {  	_ =	strace s2  }
0x95: {  	s2 =	sld [smem:$0x3FFD];
	_ =	sdelay $0x3  }
0x96: {  	_ =	strace s2  }
0x97: {  	_ =	strace $0x8FFFFFFF  }
0x98: {  	s18 =	sld [smem:$0x3FDB];
	_ =	sdelay $0x1  }
0x99: {  	s19 =	simm.s32 $_scs_section_size  }
0x9a: {  	s4 =	simm.s32 $_size__tile_overlayer_lowered;
	s5 =	simm.s32 $_tile_overlayer_lowered  }
0x9b: {  	s22 =	simm.s32 $0x1BFF;
	s21 =	sshll.u32 s5, $0x1;
	s2 =	sadd.s32 s19, s18  }
0x9c: {  	s6 =	simm.s32 $0x0;
	s20 =	sshll.u32 s4, $0x1;
	s4 =	sadd.s32 s21, s2  }
0x9d: {  	[timem:s6], [sflag:s22] =	dma.local [hbm:s4], s20  }
0x9e: {  	_ =	swait.ge [sflag:s22], s20  }
0x9f: {  	s3 =	ssub.s32 $0x0, s20;
	[sflag:s22] =	ssyncset.done $0x0  }
0xa0: {  	[sflag:s22] =	ssyncadd.s32 s3;
	_ =	sdelay $0x1  }
0xa1: {  	s23 =	simm.s32 $0x1B8B  }
0xa2: {  	_ =	swait.ge [sflag:s23], $0x1  }
0xa3: {  	[sflag:s23] =	ssyncset.done $0x0  }
0xa4: {  	s25 =	simm.s32 $0x1B8E;
	s24 =	sld [smem:$0x3FFE];
	[sflag:s23] =	ssyncadd.s32 $0xFFFFFFFF  }
0xa5: {  	s26 =	simm.s32 $execute0_lowered;
	[smem:$0x3FD2] =	sst s25  }
0xa6: {  	s4 =	sshll.u32 s26, $0x1;
	_ =	strace $0x8000004C;
	[dreg:$0x1] =	wrdreg $0xFFFFFFFF  }
0xa7: {  	s28 =	simm.s32 $_size_execute0_lowered;
	s2 =	sadd.s32 s2, s4;
	[dreg:$0x0] =	wrdreg $0x0  }
0xa8: {  	s4 =	sshll.u32 s28, $0x1;
	[dreg:$0x2] =	wrdreg s2  }
0xa9: {  	[dreg:$0x3] =	wrdreg s4  }
0xaa: {  	[dreg:$0x4] =	wrdreg $0xC0  }
0xab: {  	_ =	task [dreg:s6], $0x5FFFF  }
0xac: {  	[dreg:$0x1] =	wrdreg $0xFFFFFFFF  }
0xad: {  	[dreg:$0x0] =	wrdreg $0x60  }
0xae: {  	[dreg:$0x2] =	wrdreg s24  }
0xaf: {  	[dreg:$0x3] =	wrdreg $0x90000  }
0xb0: {  	[dreg:$0x4] =	wrdreg $0x9  }
0xb1: {  	_ =	task.clear_ibuf [dreg:s6], $0x5FFFF;
	_ =	strace $0x9000004C  }
0xb2: {  	s29 =	simm.s32 $0x9;
	_ =	strace $0x8000004E  }
0xb3: {  	_ =	swait.ge [sflag:s29], $0x1  }
0xb4: {  	[sflag:s29] =	ssyncadd.s32 $0xFFFFFFFF  }
0xb5: {  	_ =	strace $0x9000004E  }
0xb6: {  	_ =	sfence  }
0xb7: {  	s30 =	sld [smem:$0x0];
	_ =	sdelay $0x2  }
0xb8: {  	s31 =	sshll.u32 s1, $0xD;
	s1 =	sshrl.u32 s1, $0x2  }
0xb9: {  	s3 =	sand.u32 $0x4000, s31;
	s1 =	sadd.s32 s1, s30  }
0xba: {  	s0 =	sor.u32 s3, s0;
	s1 =	sshll.u32 s1, $0x11  }
0xbb: {  	s0 =	sor.u32 s1, s0  }
0xbc: {  	s0 =	sadd.s32 $0x8F2B, s0  }
0xbd: {  	[sflag:s0] =	ssyncadd.remote.s32 $0x1  }
0xbe: {  	_ =	sfence.sel $0xFFFF  }
0xbf: {  	[dreg:$0x0] =	wrdreg $0xFFFFFFFF;
	(pc) =	sbr.abs _section_cstart, $3  }
0xc0: {  	[dreg:$0x1] =	wrdreg $0xFFFFFFFF  }
0xc1: {  	_ =	task.clear_ibuf [dreg:s6], $0x2FFFF;
	_ =	strace $0x9FFFFFFF  }
0xc2: {  	(tm) =	ssettm $0x7FFFFFFF  }
0xc3: {  	_ =	shalt  }
tec
execute0_lowered:
.L_overlay_start_1:
0x0: {  	(tag) =	ssettag $0x1  }
0x1: {  	s6 =	rddreg [dreg:$0x0]  }
0x2: {  	s2 =	rddreg [dreg:$0x1]  }
0x3: {  	s0 =	rddreg [dreg:$0x2];
	s1 =	stileid.u32;
	s3 =	simm.s32 $0x0  }
0x4: {  	s4 =	srdreg.scid;
	s15 =	simm.s32 $0x80;
	s16 =	simm.s32 $0x5000  }
0x5: {  	s17 =	simm.s32 $0x0;
	s7 =	smul.u32 $0x500, s1;
	[smem:$0x7FF] =	sst s3  }
0x6: {  	s8 =	smul.u32 $0x14000, s1;
	s10 =	sand.u32 $0x1, s4;
	s4 =	sadd.s32 $0xAA000, s6  }
0x7: {  	s5 =	sadd.s32 $0x32000, s6;
	s12 =	smul.u32 $0x50000, s1;
	s31 =	sshll.u32 s1, $0x6  }
0x8: {  	_ =	strace $0x8000004D;
	s9 =	smul.u32 $0x140000, s10;
	s29 =	ssub.s32 $0x2, s10  }
0x9: {  	p0 =	seq.s32 s10, $0x1;
	s11 =	sadd.s32 s7, s6;
	s28 =	sshrl.u32 s8, $0x3  }
0xa: {  	s13 =	sshrl.u32 s29, $0x1;
	s30 =	sshrl.u32 s12, $0x2;
	s8 =	sadd.s32 s8, s9  }
.Ltmp0:
0xb: {  	s7 =	sadd.s32 s28, s6;
	s13 =	ssub.s32 s29, s13;
	(pc) =	sbr.rel .LBB2_1-.Ltmp0, $4  }
0xc: {  	s12 =	sadd.s32 s30, s2;
	s9 =	sadd.s32 $0x5000, s11;
	s8 =	sshrl.u32 s8, $0x3  }
0xd: {  	s12 =	sshrl.u32 s12, $0x3;
	s14 =	sadd.s32 s8, s6;
	s6 =	sadd.s32 $0x82000, s7  }
0xe: {  	s7 =	sor.u32 $0x1C01, s31;
	s8 =	sadd.s32 $0xD2000, s11;
	s11 =	smax.u32 s13, $0x1  }
0xf: {  	s13 =	simm.s32 $0x1;
	s10 =	sadd.s32 $0xD7000, s14;
	s14 =	simm.s32 $0x2800  }
.LBB2_7:
0x10: {  	s18 =	sshra.s32 s18, $0x2;
	[sflag:s13] =	ssyncadd.s32 $0xFFFFC000  }
0x11: {  	[tilespmem:s16], [sflag:$0x1] =	stream.indirect.gather [hbm4b:s5+s15], $0x80, s18, s15, $0xb8;
	[tilespmem:$0x1D000] =	vst v63  }
0x12: {  	_ =	swait.ge [sflag:s13], $0x4000  }
0x13: {  	[sflag:s13] =	ssyncset.done $0x0  }
0x14: {  	s18 =	sadd.s32 $0x2800, s18;
	[sflag:s13] =	ssyncadd.s32 $0xFFFFC000  }
0x15: {  	[spmem:s2] =	stream.indirect.scatter.add.f32 [tilespmem:s16], [sflag:$0x1], $0x80, s18, s15, $0xb8;
	[tilespmem:$0x1D000] =	vst v63  }
0x16: {  	_ =	swait.ge [sflag:s13], $0x4000  }
0x17: {  	[sflag:s13] =	ssyncset.done $0x0  }
0x18: {  	[sflag:s13] =	ssyncadd.s32 $0xFFFFC000  }
.LBB2_8:
0x19: {  	s17 =	sadd.s32 $0x1, s17  }
0x1a: {  	p1 =	sne.s32 s17, s11  }
.Ltmp1:
0x1b: {  	[bflag:$0x0] =	sbarrier.arrive $0xFFFF;
	(pc) =	sbr.rel @!p1 .LBB2_9-.Ltmp1, $4  }
0x1c: {  	[hbm:s10], [sflag:s7] =	dma.local [spmem:s12], $0x2800  }
0x1d: {  	_ =	swait.ge [sflag:s13], $0x2800  }
0x1e: {  	[sflag:s13] =	ssyncset.done $0x0  }
0x1f: {  	[sflag:s13] =	ssyncadd.s32 $0xFFFFD800  }
.LBB2_1:
0x20: {  	[spmem:s12], [sflag:s7] =	dma.local [hbm:s6], $0x2800  }
0x21: {  	_ =	swait.ge [sflag:s13], $0x2800  }
0x22: {  	[sflag:s13] =	ssyncset.done $0x0  }
0x23: {  	[sflag:s13] =	ssyncadd.s32 $0xFFFFD800  }
0x24: {  	[tilespmem:s3], [sflag:$0x1] =	stream.linear.gather [hbm4b:s8+s3], $0x2800, $0x38;
	[tilespmem:$0x1D000] =	vst v63  }
0x25: {  	_ =	swait.ge [sflag:s13], $0x2800  }
0x26: {  	[sflag:s13] =	ssyncset.done $0x0  }
0x27: {  	[sflag:s13] =	ssyncadd.s32 $0xFFFFD800  }
0x28: {  	[tilespmem:s14], [sflag:$0x1] =	stream.linear.gather [hbm4b:s9+s3], $0x2800, $0x38;
	[tilespmem:$0x1D000] =	vst v63  }
.Ltmp2:
0x29: {  	_ =	swait.ge [sflag:s13], $0x2800;
	(pc) =	sbr.rel @!p0 .LBB2_2-.Ltmp2, $4  }
0x2a: {  	[sflag:s13] =	ssyncset.done $0x0  }
0x2b: {  	[sflag:s13] =	ssyncadd.s32 $0xFFFFD800  }
0x2c: {  	[bflag:$0x0] =	sbarrier.arrive $0xFFFF  }
0x2d: {  	s18 =	simm.s32 $0x0  }
0x2e: {  	[tilespmem:s16], [sflag:$0x1] =	stream.indirect.gather [hbm4b:s5+s15], $0x80, s18, s15, $0xb8;
	[tilespmem:$0x1D000] =	vst v63  }
0x2f: {  	_ =	swait.ge [sflag:s13], $0x4000  }
0x30: {  	[sflag:s13] =	ssyncset.done $0x0  }
0x31: {  	s31 =	simm.s32 $0x2800;
	[sflag:s13] =	ssyncadd.s32 $0xFFFFC000  }
0x32: {  	[spmem:s2] =	stream.indirect.scatter.add.f32 [tilespmem:s16], [sflag:$0x1], $0x80, s31, s15, $0xb8;
	[tilespmem:$0x1D000] =	vst v63  }
0x33: {  	_ =	swait.ge [sflag:s13], $0x4000  }
0x34: {  	s18 =	simm.s32 $0x200;
	s19 =	simm.s32 $0x400;
	[sflag:s13] =	ssyncset.done $0x0  }
.LBB2_6:
0x35: {  	s20 =	sshra.s32 s18, $0x2  }
0x36: {  	[sflag:s13] =	ssyncadd.s32 $0xFFFFC000;
	s18 =	smov.u32 s19;
	s21 =	sadd.s32 $0x200, s19  }
0x37: {  	[tilespmem:s16], [sflag:$0x1] =	stream.indirect.gather [hbm4b:s5+s15], $0x80, s20, s15, $0xb8;
	[tilespmem:$0x1D000] =	vst v63  }
0x38: {  	p1 =	sne.s32 s19, $0x9E00;
	_ =	swait.ge [sflag:s13], $0x4000  }
.Ltmp3:
0x39: {  	[sflag:s13] =	ssyncset.done $0x0;
	(pc) =	sbr.rel @p1 .LBB2_6-.Ltmp3, $4  }
0x3a: {  	s19 =	sadd.s32 $0x2800, s20;
	[sflag:s13] =	ssyncadd.s32 $0xFFFFC000  }
0x3b: {  	[spmem:s2] =	stream.indirect.scatter.add.f32 [tilespmem:s16], [sflag:$0x1], $0x80, s19, s15, $0xb8;
	[tilespmem:$0x1D000] =	vst v63  }
0x3c: {  	_ =	swait.ge [sflag:s13], $0x4000  }
0x3d: {  	s19 =	smov.u32 s21;
	[sflag:s13] =	ssyncset.done $0x0  }
.Ltmp4:
0x3e: {  	_ = 	snop;
	(pc) =	sbr.rel .LBB2_7-.Ltmp4, $1  }
0x3f: {  	_ =	sdelay $0x3  }
.LBB2_2:
0x40: {  	[tilespmem:s16], [sflag:$0x1] =	stream.indirect.gather [hbm4b:s4+s15], $0x80, s18, s15, $0xb8;
	[tilespmem:$0x1D000] =	vst v63  }
0x41: {  	_ =	swait.ge [sflag:s13], $0x4000  }
0x42: {  	[sflag:s13] =	ssyncset.done $0x0  }
0x43: {  	s31 =	simm.s32 $0x2800;
	[sflag:s13] =	ssyncadd.s32 $0xFFFFC000  }
0x44: {  	[spmem:s2] =	stream.indirect.scatter.add.f32 [tilespmem:s16], [sflag:$0x1], $0x80, s31, s15, $0xb8;
	[tilespmem:$0x1D000] =	vst v63  }
0x45: {  	_ =	swait.ge [sflag:s13], $0x4000  }
0x46: {  	s18 =	simm.s32 $0x200;
	s19 =	simm.s32 $0x400;
	[sflag:s13] =	ssyncset.done $0x0  }
.LBB2_3:
0x47: {  	s20 =	sshra.s32 s18, $0x2  }
0x48: {  	[sflag:s13] =	ssyncadd.s32 $0xFFFFC000;
	s18 =	smov.u32 s19;
	s21 =	sadd.s32 $0x200, s19  }
0x49: {  	[tilespmem:s16], [sflag:$0x1] =	stream.indirect.gather [hbm4b:s4+s15], $0x80, s20, s15, $0xb8;
	[tilespmem:$0x1D000] =	vst v63  }
0x4a: {  	p1 =	seq.s32 s19, $0x9E00;
	_ =	swait.ge [sflag:s13], $0x4000  }
.Ltmp5:
0x4b: {  	[sflag:s13] =	ssyncset.done $0x0;
	(pc) =	sbr.rel @!p1 .LBB2_3-.Ltmp5, $4  }
0x4c: {  	s19 =	sadd.s32 $0x2800, s20;
	[sflag:s13] =	ssyncadd.s32 $0xFFFFC000  }
0x4d: {  	[spmem:s2] =	stream.indirect.scatter.add.f32 [tilespmem:s16], [sflag:$0x1], $0x80, s19, s15, $0xb8;
	[tilespmem:$0x1D000] =	vst v63  }
0x4e: {  	_ =	swait.ge [sflag:s13], $0x4000  }
0x4f: {  	s19 =	smov.u32 s21;
	[sflag:s13] =	ssyncset.done $0x0  }
0x50: {  	s18 =	sshra.s32 s18, $0x2;
	[sflag:s13] =	ssyncadd.s32 $0xFFFFC000  }
0x51: {  	[tilespmem:s16], [sflag:$0x1] =	stream.indirect.gather [hbm4b:s4+s15], $0x80, s18, s15, $0xb8;
	[tilespmem:$0x1D000] =	vst v63  }
0x52: {  	_ =	swait.ge [sflag:s13], $0x4000  }
0x53: {  	[sflag:s13] =	ssyncset.done $0x0  }
.Ltmp6:
0x54: {  	s18 =	sadd.s32 $0x2800, s18;
	[sflag:s13] =	ssyncadd.s32 $0xFFFFC000;
	(pc) =	sbr.rel .LBB2_8-.Ltmp6, $4  }
0x55: {  	[spmem:s2] =	stream.indirect.scatter.add.f32 [tilespmem:s16], [sflag:$0x1], $0x80, s18, s15, $0xb8;
	[tilespmem:$0x1D000] =	vst v63  }
0x56: {  	_ =	swait.ge [sflag:s13], $0x4000  }
0x57: {  	[sflag:s13] =	ssyncset.done $0x0  }
0x58: {  	[sflag:s13] =	ssyncadd.s32 $0xFFFFC000  }
.LBB2_9:
0x59: {  	_ =	sfence.sel $0x180000  }
0x5a: {  	[bflag:$0x0] =	sbarrier.arrive $0xFFFF  }
0x5b: {  	p0 =	sne.s32 s1, $0x0;
	_ =	strace $0x9000004D  }
0x5c: {  	s0 =	sadd.s32 @!p0 $0x100000, s0;
	[bflag:$0x2] =	sbarrier.arrive $0xFFFF  }
0x5d: {  	[sflag:s0] =	ssyncadd.tile.s32 @!p0 $0x1;
	_ =	shalt  }
.Lfunc_end2:
_tile_overlayer_lowered:
.L_overlay_start_2:
0x5e: {  	(tag) =	ssettag $0x2  }
0x5f: {  	s0 =	rddreg [dreg:$0x0];
	s2 =	stileid.u32  }
0x60: {  	s1 =	rddreg [dreg:$0x1];
	p0 =	sne.s32 s2, $0x0  }
0x61: {  	s3 =	rddreg [dreg:$0x2];
	[bflag:$0x3] =	sbarrier.arrive $0xFFFF;
	s2 =	simm.s32 @!p0 $0x1C01  }
0x62: {  	[timem:s3], [sflag:s2] =	dma.local @!p0 [hbm:s0], s1  }
0x63: {  	s0 =	simm.s32 @!p0 $0x1  }
0x64: {  	_ =	swait.ge @!p0 [sflag:s0], s1  }
0x65: {  	s1 =	ssub.s32 @!p0 $0x0, s1;
	[sflag:s0] =	ssyncset.done @!p0 $0x0  }
0x66: {  	[sflag:s0] =	ssyncadd.s32 @!p0 s1  }
0x67: {  	[bflag:$0x3] =	sbarrier.arrive $0xFFFF  }
0x68: {  	_ =	shalt  }

// kernel: kernel.20.cloned.1.call-start
scs
__scs_entry_jumppad:
0x0: {  	(pc) =	sbr.rel $0x88, $3  }
0x1: {  	(tag) =	ssettag $0x0;
	lr =	simm.s32 $0x1  }
0x2: {  	[smem:$0x3F96] =	sst lr;
	_ =	strace $0xD0000000  }
0x3: {  	_ = 	snop  }
0x4: {  	_ = 	snop  }
0x5: {  	_ = 	snop  }
0x6: {  	_ = 	snop  }
0x7: {  	_ = 	snop  }
__scs_overlays_trampoline_lowered:
0x8: {  	[smem:$0x3FA5] =	sst s0  }
0x9: {  	[smem:$0x3FA6] =	sst s1  }
0xa: {  	[smem:$0x3FA7] =	sst s2  }
0xb: {  	[smem:$0x3FA8] =	sst s3  }
0xc: {  	[smem:$0x3FA9] =	sst s4  }
0xd: {  	[smem:$0x3FAA] =	sst s5  }
0xe: {  	[smem:$0x3FAB] =	sst s6  }
0xf: {  	[smem:$0x3FAC] =	sst s7  }
0x10: {  	[smem:$0x3FAD] =	sst s8  }
0x11: {  	[smem:$0x3FAE] =	sst s9;
	s0 =	simm.s32 @!p0 $0x0  }
0x12: {  	s1 =	sld [smem:$0x3F94];
	s0 =	simm.s32 @p0 $0x1  }
0x13: {  	[smem:$0x3FAF] =	sst s0;
	s0 =	simm.s32 @!p1 $0x0  }
0x14: {  	s2 =	sld [smem:$0x3F93];
	s0 =	simm.s32 @p1 $0x1  }
0x15: {  	[smem:$0x3FB0] =	sst s0;
	s0 =	simm.s32 @!p2 $0x0  }
0x16: {  	s3 =	sld [smem:$0x3FDB];
	s0 =	simm.s32 @p2 $0x1  }
0x17: {  	s4 =	simm.s32 $0x1BF5;
	[smem:$0x3FB2] =	sst s0  }
0x18: {  	s0 =	sld [smem:$0x3F95];
	_ =	swait.ge [sflag:s4], $0x0  }
0x19: {  	s7 =	sld [smem:$0x3F96]  }
0x1a: {  	s8 =	sadd.s32 $0xFFFFE003, lr  }
0x1b: {  	s9 =	sadd.s32 $0xFFFFFEF7, lr;
	s5 =	simm.s32 $0xFFFFFFFF;
	p2 =	slt.u32 s8, $0xFFFFF086  }
0x1c: {  	p1 =	slt.u32 s9, $0xF7A;
	s5 =	simm.s32 @!p2 $0x0  }
0x1d: {  	s5 =	simm.s32 @p1 $0x1;
	p0 =	seq.s32 s7, s2  }
0x1e: {  	s7 =	smul.u32 @!p0 $0xF7A, s2;
	p2 =	seq.s32 @!p0 s5, $0x0  }
0x1f: {  	s9 =	smul.u32 $0xF7A, s1;
	s8 =	simm.s32 @!p0 $0x1BF5;
	p2 =	por !p2, p0  }
0x20: {  	[sflag:s8] =	ssyncset.s32 @!p0 $0xFFFFF086;
	s6 =	sadd.s32 @!p0 s3, s7;
	s7 =	simm.s32 @!p0 $0x108  }
0x21: {  	s3 =	sadd.s32 s3, s9;
	s6 =	sadd.s32 @!p0 $0x88, s6;
	s7 =	simm.s32 @p2 $0x1082  }
0x22: {  	[simem:s7], [sflag:s8] =	dma.local @!p0 [hbm:s6], $0xF7A  }
0x23: {  	s9 =	sor.u32 $0xD0000000, s2;
	s6 =	simm.s32 $0x108;
	_ =	swait.ge @!p0 [sflag:s8], $0x0  }
0x24: {  	s3 =	sadd.s32 $0x88, s3;
	s6 =	simm.s32 @!p1 $0x1082;
	[sflag:s4] =	ssyncset.s32 $0xFFFFF086  }
0x25: {  	[simem:s6], [sflag:s4] =	dma.local [hbm:s3], $0xF7A  }
0x26: {  	[smem:$0x3F96] =	sst s1;
	(tag) =	ssettag s2;
	_ =	strace s9  }
0x27: {  	s1 =	sld [smem:$0x3FA6]  }
0x28: {  	s2 =	sld [smem:$0x3FA7]  }
0x29: {  	s4 =	sld [smem:$0x3FA9]  }
0x2a: {  	p0 =	seq.s32 s5, $0x0;
	s5 =	sld [smem:$0x3FAA]  }
0x2b: {  	s6 =	sld [smem:$0x3FAB]  }
0x2c: {  	s7 =	sld [smem:$0x3FAC]  }
0x2d: {  	s3 =	simm.s32 $0x108;
	s8 =	sld [smem:$0x3FAD]  }
0x2e: {  	s3 =	simm.s32 @!p0 $0x1082;
	s9 =	sld [smem:$0x3FAE]  }
0x2f: {  	lr =	sadd.s32 s0, s3;
	s0 =	sld [smem:$0x3FA5]  }
0x30: {  	s3 =	sld [smem:$0x3FA8]  }
0x31: {  	[smem:$0x3FB1] =	sst s10  }
0x32: {  	s10 =	sld [smem:$0x3FAF];
	_ =	sdelay $0x3  }
0x33: {  	p0 =	seq.s32 s10, $0x1;
	s10 =	sld [smem:$0x3FB1];
	_ =	sdelay $0x3  }
0x34: {  	[smem:$0x3FB1] =	sst s10  }
0x35: {  	s10 =	sld [smem:$0x3FB0];
	_ =	sdelay $0x3  }
0x36: {  	p1 =	seq.s32 s10, $0x1;
	s10 =	sld [smem:$0x3FB1];
	_ =	sdelay $0x3  }
0x37: {  	[smem:$0x3FB1] =	sst s10  }
0x38: {  	s10 =	sld [smem:$0x3FB2]  }
0x39: {  	_ = 	snop;
	(pc) =	sbr.ind lr, $3  }
0x3a: {  	_ = 	snop  }
0x3b: {  	_ = 	snop  }
0x3c: {  	p2 =	seq.s32 s10, $0x1;
	s10 =	sld [smem:$0x3FB1]  }
0x3d: {  	_ =	shalt  }
0x3e: {  	_ =	shalt  }
0x3f: {  	_ =	shalt  }
0x40: {  	_ =	shalt  }
0x41: {  	_ =	shalt  }
0x42: {  	_ =	shalt  }
0x43: {  	_ =	shalt  }
0x44: {  	_ =	shalt  }
0x45: {  	_ =	shalt  }
0x46: {  	_ =	shalt  }
0x47: {  	_ =	shalt  }
0x48: {  	_ =	shalt  }
0x49: {  	_ =	shalt  }
0x4a: {  	_ =	shalt  }
0x4b: {  	_ =	shalt  }
0x4c: {  	_ =	shalt  }
0x4d: {  	_ =	shalt  }
0x4e: {  	_ =	shalt  }
0x4f: {  	_ =	shalt  }
0x50: {  	_ =	shalt  }
0x51: {  	_ =	shalt  }
0x52: {  	_ =	shalt  }
0x53: {  	_ =	shalt  }
0x54: {  	_ =	shalt  }
0x55: {  	_ =	shalt  }
0x56: {  	_ =	shalt  }
0x57: {  	_ =	shalt  }
0x58: {  	_ =	shalt  }
0x59: {  	_ =	shalt  }
0x5a: {  	_ =	shalt  }
0x5b: {  	_ =	shalt  }
0x5c: {  	_ =	shalt  }
0x5d: {  	_ =	shalt  }
0x5e: {  	_ =	shalt  }
0x5f: {  	_ =	shalt  }
0x60: {  	_ =	shalt  }
0x61: {  	_ =	shalt  }
0x62: {  	_ =	shalt  }
0x63: {  	_ =	shalt  }
0x64: {  	_ =	shalt  }
0x65: {  	_ =	shalt  }
0x66: {  	_ =	shalt  }
0x67: {  	_ =	shalt  }
0x68: {  	_ =	shalt  }
0x69: {  	_ =	shalt  }
0x6a: {  	_ =	shalt  }
0x6b: {  	_ =	shalt  }
0x6c: {  	_ =	shalt  }
0x6d: {  	_ =	shalt  }
0x6e: {  	_ =	shalt  }
0x6f: {  	_ =	shalt  }
0x70: {  	_ =	shalt  }
0x71: {  	_ =	shalt  }
0x72: {  	_ =	shalt  }
0x73: {  	_ =	shalt  }
0x74: {  	_ =	shalt  }
0x75: {  	_ =	shalt  }
0x76: {  	_ =	shalt  }
0x77: {  	_ =	shalt  }
0x78: {  	_ =	shalt  }
0x79: {  	_ =	shalt  }
0x7a: {  	_ =	shalt  }
0x7b: {  	_ =	shalt  }
0x7c: {  	_ =	shalt  }
0x7d: {  	_ =	shalt  }
0x7e: {  	_ =	shalt  }
0x7f: {  	_ =	shalt  }
0x80: {  	_ =	shalt  }
0x81: {  	_ =	shalt  }
0x82: {  	_ =	shalt  }
0x83: {  	_ =	shalt  }
0x84: {  	_ =	shalt  }
0x85: {  	_ =	shalt  }
0x86: {  	_ =	shalt  }
0x87: {  	_ =	shalt  }
.Lfunc_end0:
.L_simem_size_0:
called_computation.3_lowered:
.L_overlay_start_0:
0x88: {  	s2 =	sld [smem:$0x3FD9]  }
0x89: {  	s3 =	sld [smem:$0x3FFE];
	_ =	sdelay $0x1  }
0x8a: {  	s1 =	srdreg.scid  }
0x8b: {  	s0 =	sand.u32 $0x1, s1  }
0x8c: {  	s16 =	sshll.u32 s0, $0xA;
	s2 =	sadd.s32 s3, s2  }
0x8d: {  	s2 =	sadd.s32 s2, s16  }
0x8e: {  	[smem:$0x3FBD] =	sst s2  }
0x8f: {  	_ = 	snop  }
0x90: {  	(tm) =	ssettm $0x1  }
0x91: {  	s17 =	sld [smem:$0x3FFB];
	_ =	sdelay $0x3  }
0x92: {  	_ =	strace s17  }
0x93: {  	s2 =	sld [smem:$0x3FFC];
	_ =	sdelay $0x3  }
0x94: {  	_ =	strace s2  }
0x95: {  	s2 =	sld [smem:$0x3FFD];
	_ =	sdelay $0x3  }
0x96: {  	_ =	strace s2  }
0x97: {  	_ =	strace $0x8FFFFFFF  }
0x98: {  	s18 =	sld [smem:$0x3FDB];
	_ =	sdelay $0x1  }
0x99: {  	s19 =	simm.s32 $_scs_section_size  }
0x9a: {  	s4 =	simm.s32 $_size__tile_overlayer_lowered;
	s5 =	simm.s32 $_tile_overlayer_lowered  }
0x9b: {  	s22 =	simm.s32 $0x1BFF;
	s21 =	sshll.u32 s5, $0x1;
	s2 =	sadd.s32 s19, s18  }
0x9c: {  	s6 =	simm.s32 $0x0;
	s20 =	sshll.u32 s4, $0x1;
	s4 =	sadd.s32 s21, s2  }
0x9d: {  	[timem:s6], [sflag:s22] =	dma.local [hbm:s4], s20  }
0x9e: {  	_ =	swait.ge [sflag:s22], s20  }
0x9f: {  	s3 =	ssub.s32 $0x0, s20;
	[sflag:s22] =	ssyncset.done $0x0  }
0xa0: {  	[sflag:s22] =	ssyncadd.s32 s3;
	_ =	sdelay $0x1  }
0xa1: {  	s23 =	simm.s32 $0x1B8B  }
0xa2: {  	_ =	swait.ge [sflag:s23], $0x1  }
0xa3: {  	[sflag:s23] =	ssyncset.done $0x0  }
0xa4: {  	s25 =	simm.s32 $0x1B8E;
	s24 =	sld [smem:$0x3FFE];
	[sflag:s23] =	ssyncadd.s32 $0xFFFFFFFF  }
0xa5: {  	s26 =	simm.s32 $execute0_lowered;
	[smem:$0x3FD2] =	sst s25  }
0xa6: {  	s4 =	sshll.u32 s26, $0x1;
	_ =	strace $0x8000004F;
	[dreg:$0x1] =	wrdreg $0xFFFFFFFF  }
0xa7: {  	s28 =	simm.s32 $_size_execute0_lowered;
	s2 =	sadd.s32 s2, s4;
	[dreg:$0x0] =	wrdreg $0x0  }
0xa8: {  	s4 =	sshll.u32 s28, $0x1;
	[dreg:$0x2] =	wrdreg s2  }
0xa9: {  	[dreg:$0x3] =	wrdreg s4  }
0xaa: {  	[dreg:$0x4] =	wrdreg $0xC0  }
0xab: {  	_ =	task [dreg:s6], $0x5FFFF  }
0xac: {  	[dreg:$0x1] =	wrdreg $0xFFFFFFFF  }
0xad: {  	[dreg:$0x0] =	wrdreg $0x60  }
0xae: {  	[dreg:$0x2] =	wrdreg s24  }
0xaf: {  	[dreg:$0x3] =	wrdreg $0x90000  }
0xb0: {  	[dreg:$0x4] =	wrdreg $0x9  }
0xb1: {  	_ =	task.clear_ibuf [dreg:s6], $0x5FFFF;
	_ =	strace $0x9000004F  }
0xb2: {  	s29 =	simm.s32 $0x9;
	_ =	strace $0x80000051  }
0xb3: {  	_ =	swait.ge [sflag:s29], $0x1  }
0xb4: {  	[sflag:s29] =	ssyncadd.s32 $0xFFFFFFFF  }
0xb5: {  	_ =	strace $0x90000051  }
0xb6: {  	_ =	sfence  }
0xb7: {  	s30 =	sld [smem:$0x0];
	_ =	sdelay $0x2  }
0xb8: {  	s31 =	sshll.u32 s1, $0xD;
	s1 =	sshrl.u32 s1, $0x2  }
0xb9: {  	s3 =	sand.u32 $0x4000, s31;
	s1 =	sadd.s32 s1, s30  }
0xba: {  	s0 =	sor.u32 s3, s0;
	s1 =	sshll.u32 s1, $0x11  }
0xbb: {  	s0 =	sor.u32 s1, s0  }
0xbc: {  	s0 =	sadd.s32 $0x8F2B, s0  }
0xbd: {  	[sflag:s0] =	ssyncadd.remote.s32 $0x1  }
0xbe: {  	_ =	sfence.sel $0xFFFF  }
0xbf: {  	[dreg:$0x0] =	wrdreg $0xFFFFFFFF;
	(pc) =	sbr.abs _section_cstart, $3  }
0xc0: {  	[dreg:$0x1] =	wrdreg $0xFFFFFFFF  }
0xc1: {  	_ =	task.clear_ibuf [dreg:s6], $0x2FFFF;
	_ =	strace $0x9FFFFFFF  }
0xc2: {  	(tm) =	ssettm $0x7FFFFFFF  }
0xc3: {  	_ =	shalt  }
tec
execute0_lowered:
.L_overlay_start_1:
0x0: {  	(tag) =	ssettag $0x1  }
0x1: {  	s6 =	rddreg [dreg:$0x0]  }
0x2: {  	s2 =	rddreg [dreg:$0x1]  }
0x3: {  	s0 =	rddreg [dreg:$0x2];
	s1 =	stileid.u32;
	s3 =	simm.s32 $0x0  }
0x4: {  	s4 =	srdreg.scid;
	s15 =	simm.s32 $0x80;
	s16 =	simm.s32 $0x5000  }
0x5: {  	s17 =	simm.s32 $0x0;
	s7 =	smul.u32 $0x500, s1;
	[smem:$0x7FF] =	sst s3  }
0x6: {  	s8 =	smul.u32 $0x14000, s1;
	s10 =	sand.u32 $0x1, s4;
	s4 =	sadd.s32 $0xAA000, s6  }
0x7: {  	s5 =	sadd.s32 $0x32000, s6;
	s12 =	smul.u32 $0x50000, s1;
	s31 =	sshll.u32 s1, $0x6  }
0x8: {  	_ =	strace $0x80000050;
	s9 =	smul.u32 $0x140000, s10;
	s29 =	ssub.s32 $0x2, s10  }
0x9: {  	p0 =	seq.s32 s10, $0x1;
	s11 =	sadd.s32 s7, s6;
	s28 =	sshrl.u32 s8, $0x3  }
0xa: {  	s13 =	sshrl.u32 s29, $0x1;
	s30 =	sshrl.u32 s12, $0x2;
	s8 =	sadd.s32 s8, s9  }
.Ltmp0:
0xb: {  	s7 =	sadd.s32 s28, s6;
	s13 =	ssub.s32 s29, s13;
	(pc) =	sbr.rel .LBB2_1-.Ltmp0, $4  }
0xc: {  	s12 =	sadd.s32 s30, s2;
	s9 =	sadd.s32 $0x5000, s11;
	s8 =	sshrl.u32 s8, $0x3  }
0xd: {  	s12 =	sshrl.u32 s12, $0x3;
	s14 =	sadd.s32 s8, s6;
	s6 =	sadd.s32 $0x82000, s7  }
0xe: {  	s7 =	sor.u32 $0x1C01, s31;
	s8 =	sadd.s32 $0xD2000, s11;
	s11 =	smax.u32 s13, $0x1  }
0xf: {  	s13 =	simm.s32 $0x1;
	s10 =	sadd.s32 $0xD7000, s14;
	s14 =	simm.s32 $0x2800  }
.LBB2_7:
0x10: {  	s18 =	sshra.s32 s18, $0x2;
	[sflag:s13] =	ssyncadd.s32 $0xFFFFC000  }
0x11: {  	[tilespmem:s16], [sflag:$0x1] =	stream.indirect.gather [hbm4b:s5+s15], $0x80, s18, s15, $0xb8;
	[tilespmem:$0x1D000] =	vst v63  }
0x12: {  	_ =	swait.ge [sflag:s13], $0x4000  }
0x13: {  	[sflag:s13] =	ssyncset.done $0x0  }
0x14: {  	s18 =	sadd.s32 $0x2800, s18;
	[sflag:s13] =	ssyncadd.s32 $0xFFFFC000  }
0x15: {  	[spmem:s2] =	stream.indirect.scatter.add.f32 [tilespmem:s16], [sflag:$0x1], $0x80, s18, s15, $0xb8;
	[tilespmem:$0x1D000] =	vst v63  }
0x16: {  	_ =	swait.ge [sflag:s13], $0x4000  }
0x17: {  	[sflag:s13] =	ssyncset.done $0x0  }
0x18: {  	[sflag:s13] =	ssyncadd.s32 $0xFFFFC000  }
.LBB2_8:
0x19: {  	s17 =	sadd.s32 $0x1, s17  }
0x1a: {  	p1 =	sne.s32 s17, s11  }
.Ltmp1:
0x1b: {  	[bflag:$0x0] =	sbarrier.arrive $0xFFFF;
	(pc) =	sbr.rel @!p1 .LBB2_9-.Ltmp1, $4  }
0x1c: {  	[hbm:s10], [sflag:s7] =	dma.local [spmem:s12], $0x2800  }
0x1d: {  	_ =	swait.ge [sflag:s13], $0x2800  }
0x1e: {  	[sflag:s13] =	ssyncset.done $0x0  }
0x1f: {  	[sflag:s13] =	ssyncadd.s32 $0xFFFFD800  }
.LBB2_1:
0x20: {  	[spmem:s12], [sflag:s7] =	dma.local [hbm:s6], $0x2800  }
0x21: {  	_ =	swait.ge [sflag:s13], $0x2800  }
0x22: {  	[sflag:s13] =	ssyncset.done $0x0  }
0x23: {  	[sflag:s13] =	ssyncadd.s32 $0xFFFFD800  }
0x24: {  	[tilespmem:s3], [sflag:$0x1] =	stream.linear.gather [hbm4b:s8+s3], $0x2800, $0x38;
	[tilespmem:$0x1D000] =	vst v63  }
0x25: {  	_ =	swait.ge [sflag:s13], $0x2800  }
0x26: {  	[sflag:s13] =	ssyncset.done $0x0  }
0x27: {  	[sflag:s13] =	ssyncadd.s32 $0xFFFFD800  }
0x28: {  	[tilespmem:s14], [sflag:$0x1] =	stream.linear.gather [hbm4b:s9+s3], $0x2800, $0x38;
	[tilespmem:$0x1D000] =	vst v63  }
.Ltmp2:
0x29: {  	_ =	swait.ge [sflag:s13], $0x2800;
	(pc) =	sbr.rel @!p0 .LBB2_2-.Ltmp2, $4  }
0x2a: {  	[sflag:s13] =	ssyncset.done $0x0  }
0x2b: {  	[sflag:s13] =	ssyncadd.s32 $0xFFFFD800  }
0x2c: {  	[bflag:$0x0] =	sbarrier.arrive $0xFFFF  }
0x2d: {  	s18 =	simm.s32 $0x0  }
0x2e: {  	[tilespmem:s16], [sflag:$0x1] =	stream.indirect.gather [hbm4b:s5+s15], $0x80, s18, s15, $0xb8;
	[tilespmem:$0x1D000] =	vst v63  }
0x2f: {  	_ =	swait.ge [sflag:s13], $0x4000  }
0x30: {  	[sflag:s13] =	ssyncset.done $0x0  }
0x31: {  	s31 =	simm.s32 $0x2800;
	[sflag:s13] =	ssyncadd.s32 $0xFFFFC000  }
0x32: {  	[spmem:s2] =	stream.indirect.scatter.add.f32 [tilespmem:s16], [sflag:$0x1], $0x80, s31, s15, $0xb8;
	[tilespmem:$0x1D000] =	vst v63  }
0x33: {  	_ =	swait.ge [sflag:s13], $0x4000  }
0x34: {  	s18 =	simm.s32 $0x200;
	s19 =	simm.s32 $0x400;
	[sflag:s13] =	ssyncset.done $0x0  }
.LBB2_6:
0x35: {  	s20 =	sshra.s32 s18, $0x2  }
0x36: {  	[sflag:s13] =	ssyncadd.s32 $0xFFFFC000;
	s18 =	smov.u32 s19;
	s21 =	sadd.s32 $0x200, s19  }
0x37: {  	[tilespmem:s16], [sflag:$0x1] =	stream.indirect.gather [hbm4b:s5+s15], $0x80, s20, s15, $0xb8;
	[tilespmem:$0x1D000] =	vst v63  }
0x38: {  	p1 =	sne.s32 s19, $0x9E00;
	_ =	swait.ge [sflag:s13], $0x4000  }
.Ltmp3:
0x39: {  	[sflag:s13] =	ssyncset.done $0x0;
	(pc) =	sbr.rel @p1 .LBB2_6-.Ltmp3, $4  }
0x3a: {  	s19 =	sadd.s32 $0x2800, s20;
	[sflag:s13] =	ssyncadd.s32 $0xFFFFC000  }
0x3b: {  	[spmem:s2] =	stream.indirect.scatter.add.f32 [tilespmem:s16], [sflag:$0x1], $0x80, s19, s15, $0xb8;
	[tilespmem:$0x1D000] =	vst v63  }
0x3c: {  	_ =	swait.ge [sflag:s13], $0x4000  }
0x3d: {  	s19 =	smov.u32 s21;
	[sflag:s13] =	ssyncset.done $0x0  }
.Ltmp4:
0x3e: {  	_ = 	snop;
	(pc) =	sbr.rel .LBB2_7-.Ltmp4, $1  }
0x3f: {  	_ =	sdelay $0x3  }
.LBB2_2:
0x40: {  	[tilespmem:s16], [sflag:$0x1] =	stream.indirect.gather [hbm4b:s4+s15], $0x80, s18, s15, $0xb8;
	[tilespmem:$0x1D000] =	vst v63  }
0x41: {  	_ =	swait.ge [sflag:s13], $0x4000  }
0x42: {  	[sflag:s13] =	ssyncset.done $0x0  }
0x43: {  	s31 =	simm.s32 $0x2800;
	[sflag:s13] =	ssyncadd.s32 $0xFFFFC000  }
0x44: {  	[spmem:s2] =	stream.indirect.scatter.add.f32 [tilespmem:s16], [sflag:$0x1], $0x80, s31, s15, $0xb8;
	[tilespmem:$0x1D000] =	vst v63  }
0x45: {  	_ =	swait.ge [sflag:s13], $0x4000  }
0x46: {  	s18 =	simm.s32 $0x200;
	s19 =	simm.s32 $0x400;
	[sflag:s13] =	ssyncset.done $0x0  }
.LBB2_3:
0x47: {  	s20 =	sshra.s32 s18, $0x2  }
0x48: {  	[sflag:s13] =	ssyncadd.s32 $0xFFFFC000;
	s18 =	smov.u32 s19;
	s21 =	sadd.s32 $0x200, s19  }
0x49: {  	[tilespmem:s16], [sflag:$0x1] =	stream.indirect.gather [hbm4b:s4+s15], $0x80, s20, s15, $0xb8;
	[tilespmem:$0x1D000] =	vst v63  }
0x4a: {  	p1 =	seq.s32 s19, $0x9E00;
	_ =	swait.ge [sflag:s13], $0x4000  }
.Ltmp5:
0x4b: {  	[sflag:s13] =	ssyncset.done $0x0;
	(pc) =	sbr.rel @!p1 .LBB2_3-.Ltmp5, $4  }
0x4c: {  	s19 =	sadd.s32 $0x2800, s20;
	[sflag:s13] =	ssyncadd.s32 $0xFFFFC000  }
0x4d: {  	[spmem:s2] =	stream.indirect.scatter.add.f32 [tilespmem:s16], [sflag:$0x1], $0x80, s19, s15, $0xb8;
	[tilespmem:$0x1D000] =	vst v63  }
0x4e: {  	_ =	swait.ge [sflag:s13], $0x4000  }
0x4f: {  	s19 =	smov.u32 s21;
	[sflag:s13] =	ssyncset.done $0x0  }
0x50: {  	s18 =	sshra.s32 s18, $0x2;
	[sflag:s13] =	ssyncadd.s32 $0xFFFFC000  }
0x51: {  	[tilespmem:s16], [sflag:$0x1] =	stream.indirect.gather [hbm4b:s4+s15], $0x80, s18, s15, $0xb8;
	[tilespmem:$0x1D000] =	vst v63  }
0x52: {  	_ =	swait.ge [sflag:s13], $0x4000  }
0x53: {  	[sflag:s13] =	ssyncset.done $0x0  }
.Ltmp6:
0x54: {  	s18 =	sadd.s32 $0x2800, s18;
	[sflag:s13] =	ssyncadd.s32 $0xFFFFC000;
	(pc) =	sbr.rel .LBB2_8-.Ltmp6, $4  }
0x55: {  	[spmem:s2] =	stream.indirect.scatter.add.f32 [tilespmem:s16], [sflag:$0x1], $0x80, s18, s15, $0xb8;
	[tilespmem:$0x1D000] =	vst v63  }
0x56: {  	_ =	swait.ge [sflag:s13], $0x4000  }
0x57: {  	[sflag:s13] =	ssyncset.done $0x0  }
0x58: {  	[sflag:s13] =	ssyncadd.s32 $0xFFFFC000  }
.LBB2_9:
0x59: {  	_ =	sfence.sel $0x180000  }
0x5a: {  	[bflag:$0x0] =	sbarrier.arrive $0xFFFF  }
0x5b: {  	p0 =	sne.s32 s1, $0x0;
	_ =	strace $0x90000050  }
0x5c: {  	s0 =	sadd.s32 @!p0 $0x100000, s0;
	[bflag:$0x2] =	sbarrier.arrive $0xFFFF  }
0x5d: {  	[sflag:s0] =	ssyncadd.tile.s32 @!p0 $0x1;
	_ =	shalt  }
.Lfunc_end2:
_tile_overlayer_lowered:
.L_overlay_start_2:
0x5e: {  	(tag) =	ssettag $0x2  }
0x5f: {  	s0 =	rddreg [dreg:$0x0];
	s2 =	stileid.u32  }
0x60: {  	s1 =	rddreg [dreg:$0x1];
	p0 =	sne.s32 s2, $0x0  }
0x61: {  	s3 =	rddreg [dreg:$0x2];
	[bflag:$0x3] =	sbarrier.arrive $0xFFFF;
	s2 =	simm.s32 @!p0 $0x1C01  }
0x62: {  	[timem:s3], [sflag:s2] =	dma.local @!p0 [hbm:s0], s1  }
0x63: {  	s0 =	simm.s32 @!p0 $0x1  }
0x64: {  	_ =	swait.ge @!p0 [sflag:s0], s1  }
0x65: {  	s1 =	ssub.s32 @!p0 $0x0, s1;
	[sflag:s0] =	ssyncset.done @!p0 $0x0  }
0x66: {  	[sflag:s0] =	ssyncadd.s32 @!p0 s1  }
0x67: {  	[bflag:$0x3] =	sbarrier.arrive $0xFFFF  }
0x68: {  	_ =	shalt  }

</sc_bundles>
